<compile_context>
chip_gen: v7x
topology: tpu7x:2x2x1
jax: 0.10.2.dev20260603
libtpu: 0.0.44.dev20260713+nightly
codegen_flags: <defaults>
</compile_context>

<pallas_src>
import functools

import jax
import jax.numpy as jnp
from jax import lax
from jax.experimental import pallas as pl
from jax.experimental.pallas import tpu as pltpu
from jax.experimental.pallas import tpu_sc as plsc

_SMOOTHING = 0.1
_CONFIDENCE = 1.0 - _SMOOTHING
_V = 100000
_B = 1024
_FILL = _SMOOTHING / (_V - 2)

_TOTAL = _B * _V
_NTC = 2
_NCHUNK = 100
_CHUNK = _TOTAL // _NCHUNK
_PER_TC = _NCHUNK // _NTC
_INIT_SLICE = 8192
_L = 16
_NC, _NS = 2, 16
_NW = _NC * _NS
_PER_W = _B // _NW


@functools.partial(
    pl.kernel,
    mesh=pltpu.create_tensorcore_mesh("tc", num_cores=_NTC),
    scratch_types=[
        pltpu.VMEM((_CHUNK,), jnp.float32),
        pltpu.SemaphoreType.DMA,
    ],
)
def _tc_fill(out_hbm, scratch, sem):
    cid = lax.axis_index("tc")

    def init(i, carry):
        scratch[pl.ds(i * _INIT_SLICE, _INIT_SLICE)] = jnp.full(
            (_INIT_SLICE,), _FILL, jnp.float32)
        return carry

    lax.fori_loop(0, _CHUNK // _INIT_SLICE, init, 0)
    base = cid * (_PER_TC * _CHUNK)
    for j in range(_PER_TC):
        pltpu.make_async_copy(
            scratch, out_hbm.at[pl.ds(base + j * _CHUNK, _CHUNK)], sem
        ).start()
    for j in range(_PER_TC):
        pltpu.make_async_copy(
            scratch, out_hbm.at[pl.ds(base, _CHUNK)], sem).wait()


@functools.partial(
    pl.kernel,
    mesh=plsc.VectorSubcoreMesh(core_axis_name="c", subcore_axis_name="s"),
    scratch_types=[
        pltpu.VMEM((_PER_W,), jnp.int32),
        pltpu.VMEM((2 * _PER_W,), jnp.int32),
        pltpu.VMEM((2 * _PER_W,), jnp.float32),
        pltpu.SemaphoreType.DMA,
    ],
)
def _sc_scatter(ids_hbm, out_hbm, ids_v, idx_v, val_v, sem):
    wid = lax.axis_index("s") * _NC + lax.axis_index("c")
    base = wid * _PER_W
    pltpu.async_copy(ids_hbm.at[pl.ds(base, _PER_W)], ids_v, sem).wait()
    zero = jnp.zeros((_L,), jnp.float32)
    conf = jnp.full((_L,), _CONFIDENCE, jnp.float32)
    for g in range(_PER_W // _L):
        ids = ids_v[pl.ds(g * _L, _L)]
        rows = lax.iota(jnp.int32, _L) + (base + g * _L)
        idx_v[pl.ds(g * _L, _L)] = rows * _V + ids
        idx_v[pl.ds(_PER_W + g * _L, _L)] = rows * _V
        val_v[pl.ds(g * _L, _L)] = jnp.where(ids == 0, zero, conf)
        val_v[pl.ds(_PER_W + g * _L, _L)] = zero
    pltpu.async_copy(val_v, out_hbm.at[idx_v], sem).wait()


@jax.jit
def _run(ids):
    buf = jax.new_ref(lax.empty((_TOTAL,), jnp.float32))
    _tc_fill(buf)
    _sc_scatter(ids, buf)
    return jax.freeze(buf).reshape(_B, _V)


def kernel(tgt_tok_id):
    return _run(tgt_tok_id.reshape(-1).astype(jnp.int32))

# --- scband reference (transcript-rebuilt; emitter-appended) ---
"""Pipeline reference for scband-smooth-label-6141803233310 (READ-ONLY COPY).

The authoritative reference and input builder live on the scoring server;
editing this copy changes nothing except your own understanding.
"""

import jax, jax.numpy as jnp
import numpy as np

SMOOTHING_VALUE = 0.1
CONFIDENCE = 1.0 - SMOOTHING_VALUE
PAD_TOK_ID = 0
TGT_VOCAB_SIZE = 100000
BATCH = 1024


def setup_inputs(seed: int = 0) -> dict:
    key = jax.random.key(seed)
    tgt_tok_id = jax.random.randint(key, (BATCH, 1), 0, TGT_VOCAB_SIZE)
    return {"tgt_tok_id": tgt_tok_id}


def reference(tgt_tok_id) -> jnp.ndarray:
    batch_size = tgt_tok_id.shape[0]
    # smooth_target filled with smoothing_value / (V - 2)
    smooth_target = jnp.full((batch_size, TGT_VOCAB_SIZE), SMOOTHING_VALUE / (TGT_VOCAB_SIZE - 2), dtype=jnp.float32)
    # scatter_(1, tgt_tok_id, confidence): overwrite along dim 1 at given indices
    rows = jnp.arange(batch_size)[:, None]
    smooth_target = smooth_target.at[rows, tgt_tok_id].set(CONFIDENCE)
    # zero out pad column
    smooth_target = smooth_target.at[:, PAD_TOK_ID].set(0.0)
    return smooth_target

if __name__ == "__main__":
    import jax
    _d = setup_inputs()
    print(jax.jit(kernel)(*tuple(_d.values())))

</pallas_src>

<mosaic_0001>
#map = affine_map<(d0, d1) -> (0)>
module attributes {stable_mosaic.version = 14 : i64} {
  func.func @new_body(%arg0: i32, %arg1: i32, %arg2: memref<1024xi32, #tpu.memory_space<hbm>>, %arg3: memref<102400000xf32, #tpu.memory_space<hbm>>, %arg4: memref<102400000xf32, #tpu.memory_space<hbm>>, %arg5: memref<32xi32, #tpu.memory_space<vmem>>, %arg6: memref<64xi32, #tpu.memory_space<vmem>>, %arg7: memref<64xf32, #tpu.memory_space<vmem>>, %arg8: memref<!tpu.dma_semaphore, #tpu.memory_space<semaphore_mem>>) attributes {dimension_semantics = [#tpu.dimension_semantics<core_parallel>, #tpu.dimension_semantics<subcore_parallel>], iteration_bounds = array<i64: 2, 16>, scalar_prefetch = 0 : i64, scratch_operands = 4 : i64, tpu.core_type = #tpu.core_type<sc_vector_subcore>, window_params = [{transform_indices = #map}, {transform_indices = #map}, {transform_indices = #map}]} {
    %mul3A = arith.constant 2 : i32
    %mul3A_0 = arith.muli %arg1, %mul3A : i32
    %add3A = arith.addi %mul3A_0, %arg0 : i32
    %mul3A_1 = arith.constant 32 : i32
    %mul3A_2 = arith.muli %add3A, %mul3A_1 : i32
    %dma_start3A = tpu.memref_slice %arg2[%mul3A_2] : memref<1024xi32, #tpu.memory_space<hbm>> -> memref<32xi32, #tpu.memory_space<hbm>>
    %dma_start3A_3 = tpu.memref_slice %arg2[%mul3A_2] : memref<1024xi32, #tpu.memory_space<hbm>> -> memref<32xi32, #tpu.memory_space<hbm>>
    tpu.enqueue_dma source(%dma_start3A_3 : memref<32xi32, #tpu.memory_space<hbm>>) target(%arg5 : memref<32xi32, #tpu.memory_space<vmem>>) target_semaphore(%arg8 : memref<!tpu.dma_semaphore, #tpu.memory_space<semaphore_mem>>)
    %dma_wait3A = tpu.memref_slice %arg2[%mul3A_2] : memref<1024xi32, #tpu.memory_space<hbm>> -> memref<32xi32, #tpu.memory_space<hbm>>
    %dma_wait3A_4 = tpu.memref_slice %arg2[%mul3A_2] : memref<1024xi32, #tpu.memory_space<hbm>> -> memref<32xi32, #tpu.memory_space<hbm>>
    tpu.wait_dma2 semaphore(%arg8 : memref<!tpu.dma_semaphore, #tpu.memory_space<semaphore_mem>>) src(%dma_wait3A_4 : memref<32xi32, #tpu.memory_space<hbm>>) dst(%arg5 : memref<32xi32, #tpu.memory_space<vmem>>)
    %broadcast_in_dim3A = arith.constant 0.000000e+00 : f32
    %broadcast_in_dim3A_5 = vector.broadcast %broadcast_in_dim3A : f32 to vector<16xf32>
    %broadcast_in_dim3A_6 = arith.constant 0.899999976 : f32
    %broadcast_in_dim3A_7 = vector.broadcast %broadcast_in_dim3A_6 : f32 to vector<16xf32>
    %get3A = arith.constant 0 : index
    %get3A_8 = tpu.vector_load %arg5[%get3A] {strides = array<i32>} : memref<32xi32, #tpu.memory_space<vmem>>, vector<16xi32>,
    %get3A_9 = vector.shape_cast %get3A_8 : vector<16xi32> to vector<16xi32>
    %iota3A = tpu.iota {dimensions = array<i32: 0>} : vector<16xi32>
    %add3A_10 = arith.constant 0 : i32
    %add3A_11 = arith.addi %mul3A_2, %add3A_10 : i32
    %add3A_12 = vector.broadcast %add3A_11 : i32 to vector<16xi32>
    %add3A_13 = arith.addi %iota3A, %add3A_12 : vector<16xi32>
    %mul3A_14 = arith.constant 100000 : i32
    %mul3A_15 = vector.broadcast %mul3A_14 : i32 to vector<16xi32>
    %mul3A_16 = arith.muli %add3A_13, %mul3A_15 : vector<16xi32>
    %add3A_17 = arith.addi %mul3A_16, %get3A_9 : vector<16xi32>
    %swap3A = arith.constant 0 : index
    %swap3A_18 = tpu.vector_load %arg6[%swap3A] {strides = array<i32>} : memref<64xi32, #tpu.memory_space<vmem>>, vector<16xi32>,
    %swap3A_19 = vector.shape_cast %swap3A_18 : vector<16xi32> to vector<16xi32>
    %swap3A_20 = vector.shape_cast %add3A_17 : vector<16xi32> to vector<16xi32>
    tpu.vector_store %arg6[%swap3A], %swap3A_20 {strides = array<i32>} : memref<64xi32, #tpu.memory_space<vmem>>, vector<16xi32>,
    %mul3A_21 = arith.constant 100000 : i32
    %mul3A_22 = vector.broadcast %mul3A_21 : i32 to vector<16xi32>
    %mul3A_23 = arith.muli %add3A_13, %mul3A_22 : vector<16xi32>
    %swap3A_24 = arith.constant 32 : index
    %swap3A_25 = tpu.vector_load %arg6[%swap3A_24] {strides = array<i32>} : memref<64xi32, #tpu.memory_space<vmem>>, vector<16xi32>,
    %swap3A_26 = vector.shape_cast %swap3A_25 : vector<16xi32> to vector<16xi32>
    %swap3A_27 = vector.shape_cast %mul3A_23 : vector<16xi32> to vector<16xi32>
    tpu.vector_store %arg6[%swap3A_24], %swap3A_27 {strides = array<i32>} : memref<64xi32, #tpu.memory_space<vmem>>, vector<16xi32>,
    %eq3A = arith.constant 0 : i32
    %eq3A_28 = vector.broadcast %eq3A : i32 to vector<16xi32>
    %eq3A_29 = arith.cmpi eq, %get3A_9, %eq3A_28 : vector<16xi32>
    %select_n3A = arith.select %eq3A_29, %broadcast_in_dim3A_5, %broadcast_in_dim3A_7 : vector<16xi1>, vector<16xf32>
    %swap3A_30 = arith.constant 0 : index
    %swap3A_31 = tpu.vector_load %arg7[%swap3A_30] {strides = array<i32>} : memref<64xf32, #tpu.memory_space<vmem>>, vector<16xf32>,
    %swap3A_32 = vector.shape_cast %swap3A_31 : vector<16xf32> to vector<16xf32>
    %swap3A_33 = vector.shape_cast %select_n3A : vector<16xf32> to vector<16xf32>
    tpu.vector_store %arg7[%swap3A_30], %swap3A_33 {strides = array<i32>} : memref<64xf32, #tpu.memory_space<vmem>>, vector<16xf32>,
    %swap3A_34 = arith.constant 32 : index
    %swap3A_35 = tpu.vector_load %arg7[%swap3A_34] {strides = array<i32>} : memref<64xf32, #tpu.memory_space<vmem>>, vector<16xf32>,
    %swap3A_36 = vector.shape_cast %swap3A_35 : vector<16xf32> to vector<16xf32>
    %swap3A_37 = vector.shape_cast %broadcast_in_dim3A_5 : vector<16xf32> to vector<16xf32>
    tpu.vector_store %arg7[%swap3A_34], %swap3A_37 {strides = array<i32>} : memref<64xf32, #tpu.memory_space<vmem>>, vector<16xf32>,
    %get3A_38 = arith.constant 16 : index
    %get3A_39 = tpu.vector_load %arg5[%get3A_38] {strides = array<i32>} : memref<32xi32, #tpu.memory_space<vmem>>, vector<16xi32>,
    %get3A_40 = vector.shape_cast %get3A_39 : vector<16xi32> to vector<16xi32>
    %iota3A_41 = tpu.iota {dimensions = array<i32: 0>} : vector<16xi32>
    %add3A_42 = arith.constant 16 : i32
    %add3A_43 = arith.addi %mul3A_2, %add3A_42 : i32
    %add3A_44 = vector.broadcast %add3A_43 : i32 to vector<16xi32>
    %add3A_45 = arith.addi %iota3A_41, %add3A_44 : vector<16xi32>
    %mul3A_46 = arith.constant 100000 : i32
    %mul3A_47 = vector.broadcast %mul3A_46 : i32 to vector<16xi32>
    %mul3A_48 = arith.muli %add3A_45, %mul3A_47 : vector<16xi32>
    %add3A_49 = arith.addi %mul3A_48, %get3A_40 : vector<16xi32>
    %swap3A_50 = arith.constant 16 : index
    %swap3A_51 = tpu.vector_load %arg6[%swap3A_50] {strides = array<i32>} : memref<64xi32, #tpu.memory_space<vmem>>, vector<16xi32>,
    %swap3A_52 = vector.shape_cast %swap3A_51 : vector<16xi32> to vector<16xi32>
    %swap3A_53 = vector.shape_cast %add3A_49 : vector<16xi32> to vector<16xi32>
    tpu.vector_store %arg6[%swap3A_50], %swap3A_53 {strides = array<i32>} : memref<64xi32, #tpu.memory_space<vmem>>, vector<16xi32>,
    %mul3A_54 = arith.constant 100000 : i32
    %mul3A_55 = vector.broadcast %mul3A_54 : i32 to vector<16xi32>
    %mul3A_56 = arith.muli %add3A_45, %mul3A_55 : vector<16xi32>
    %swap3A_57 = arith.constant 48 : index
    %swap3A_58 = tpu.vector_load %arg6[%swap3A_57] {strides = array<i32>} : memref<64xi32, #tpu.memory_space<vmem>>, vector<16xi32>,
    %swap3A_59 = vector.shape_cast %swap3A_58 : vector<16xi32> to vector<16xi32>
    %swap3A_60 = vector.shape_cast %mul3A_56 : vector<16xi32> to vector<16xi32>
    tpu.vector_store %arg6[%swap3A_57], %swap3A_60 {strides = array<i32>} : memref<64xi32, #tpu.memory_space<vmem>>, vector<16xi32>,
    %eq3A_61 = arith.constant 0 : i32
    %eq3A_62 = vector.broadcast %eq3A_61 : i32 to vector<16xi32>
    %eq3A_63 = arith.cmpi eq, %get3A_40, %eq3A_62 : vector<16xi32>
    %select_n3A_64 = arith.select %eq3A_63, %broadcast_in_dim3A_5, %broadcast_in_dim3A_7 : vector<16xi1>, vector<16xf32>
    %swap3A_65 = arith.constant 16 : index
    %swap3A_66 = tpu.vector_load %arg7[%swap3A_65] {strides = array<i32>} : memref<64xf32, #tpu.memory_space<vmem>>, vector<16xf32>,
    %swap3A_67 = vector.shape_cast %swap3A_66 : vector<16xf32> to vector<16xf32>
    %swap3A_68 = vector.shape_cast %select_n3A_64 : vector<16xf32> to vector<16xf32>
    tpu.vector_store %arg7[%swap3A_65], %swap3A_68 {strides = array<i32>} : memref<64xf32, #tpu.memory_space<vmem>>, vector<16xf32>,
    %swap3A_69 = arith.constant 48 : index
    %swap3A_70 = tpu.vector_load %arg7[%swap3A_69] {strides = array<i32>} : memref<64xf32, #tpu.memory_space<vmem>>, vector<16xf32>,
    %swap3A_71 = vector.shape_cast %swap3A_70 : vector<16xf32> to vector<16xf32>
    %swap3A_72 = vector.shape_cast %broadcast_in_dim3A_5 : vector<16xf32> to vector<16xf32>
    tpu.vector_store %arg7[%swap3A_69], %swap3A_72 {strides = array<i32>} : memref<64xf32, #tpu.memory_space<vmem>>, vector<16xf32>,
    %dma_start3A_73 = arith.constant 0 : i32
    %dma_start3A_74 = tpu.memref_slice %arg3[%dma_start3A_73] : memref<102400000xf32, #tpu.memory_space<hbm>> -> memref<102400000xf32, #tpu.memory_space<hbm>>
    tpu.enqueue_indirect_dma source(%arg7 : memref<64xf32, #tpu.memory_space<vmem>>) target(%dma_start3A_74 : memref<102400000xf32, #tpu.memory_space<hbm>>) offsets(%arg6 : memref<64xi32, #tpu.memory_space<vmem>>) semaphore(%arg8 : memref<!tpu.dma_semaphore, #tpu.memory_space<semaphore_mem>>)
    %dma_wait3A_75 = arith.constant 0 : i32
    %dma_wait3A_76 = tpu.memref_slice %arg3[%dma_wait3A_75] : memref<102400000xf32, #tpu.memory_space<hbm>> -> memref<102400000xf32, #tpu.memory_space<hbm>>
    tpu.wait_indirect_dma semaphore(%arg8 : memref<!tpu.dma_semaphore, #tpu.memory_space<semaphore_mem>>) src(%arg7 : memref<64xf32, #tpu.memory_space<vmem>>) dst(%dma_wait3A_76 : memref<102400000xf32, #tpu.memory_space<hbm>>)
    return
  }
}

module attributes {stable_mosaic.version = 14 : i64} {
  func.func @new_body(%arg0: i32, %arg1: memref<102400000xf32, #tpu.memory_space<any>>, %arg2: memref<102400000xf32, #tpu.memory_space<any>>, %arg3: memref<1024000xf32, #tpu.memory_space<vmem>>, %arg4: memref<!tpu.dma_semaphore, #tpu.memory_space<semaphore_mem>>) attributes {dimension_semantics = [#tpu.dimension_semantics<parallel>], iteration_bounds = array<i64: 2>, scalar_prefetch = 0 : i64, scratch_operands = 2 : i64, tpu.core_type = #tpu.core_type<tc>, window_params = [{}, {}]} {
    %scan3A = arith.constant 0 : i32
    %scan3A_0 = arith.constant 0 : i32
    %scan3A_1 = arith.constant 125 : i32
    %scan3A_2 = arith.addi %scan3A_0, %scan3A_1 : i32
    %scan3A_3 = arith.constant 1 : i32
    scf.for %scan3A_203 = %scan3A_0 to %scan3A_2 step %scan3A_3  : i32 {
      %broadcast_in_dim3A = arith.constant 1.000020e-06 : f32
      %broadcast_in_dim3A_204 = vector.broadcast %broadcast_in_dim3A : f32 to vector<8192xf32>
      %mul3A_205 = arith.constant 8192 : i32
      %mul3A_206 = arith.muli %scan3A_203, %mul3A_205 : i32
      %swap3A = arith.index_cast %mul3A_206 : i32 to index
      %swap3A_207 = vector.load %arg3[%swap3A] : memref<1024000xf32, #tpu.memory_space<vmem>>, vector<8192xf32>
      tpu.vector_store %arg3[%swap3A], %broadcast_in_dim3A_204 {strides = array<i32>} : memref<1024000xf32, #tpu.memory_space<vmem>>, vector<8192xf32>,
    }
    %scan3A_4 = arith.constant 125 : i32
    %mul3A = arith.constant 51200000 : i32
    %mul3A_5 = arith.muli %arg0, %mul3A : i32
    %add3A = arith.constant 0 : i32
    %add3A_6 = arith.addi %mul3A_5, %add3A : i32
    %dma_start3A = tpu.memref_slice %arg1[%add3A_6] : memref<102400000xf32, #tpu.memory_space<any>> -> memref<1024000xf32, #tpu.memory_space<any>>
    tpu.enqueue_dma source(%arg3 : memref<1024000xf32, #tpu.memory_space<vmem>>) target(%dma_start3A : memref<1024000xf32, #tpu.memory_space<any>>) target_semaphore(%arg4 : memref<!tpu.dma_semaphore, #tpu.memory_space<semaphore_mem>>)
    %add3A_7 = arith.constant 1024000 : i32
    %add3A_8 = arith.addi %mul3A_5, %add3A_7 : i32
    %dma_start3A_9 = tpu.memref_slice %arg1[%add3A_8] : memref<102400000xf32, #tpu.memory_space<any>> -> memref<1024000xf32, #tpu.memory_space<any>>
    tpu.enqueue_dma source(%arg3 : memref<1024000xf32, #tpu.memory_space<vmem>>) target(%dma_start3A_9 : memref<1024000xf32, #tpu.memory_space<any>>) target_semaphore(%arg4 : memref<!tpu.dma_semaphore, #tpu.memory_space<semaphore_mem>>)
    %add3A_10 = arith.constant 2048000 : i32
    %add3A_11 = arith.addi %mul3A_5, %add3A_10 : i32
    %dma_start3A_12 = tpu.memref_slice %arg1[%add3A_11] : memref<102400000xf32, #tpu.memory_space<any>> -> memref<1024000xf32, #tpu.memory_space<any>>
    tpu.enqueue_dma source(%arg3 : memref<1024000xf32, #tpu.memory_space<vmem>>) target(%dma_start3A_12 : memref<1024000xf32, #tpu.memory_space<any>>) target_semaphore(%arg4 : memref<!tpu.dma_semaphore, #tpu.memory_space<semaphore_mem>>)
    %add3A_13 = arith.constant 3072000 : i32
    %add3A_14 = arith.addi %mul3A_5, %add3A_13 : i32
    %dma_start3A_15 = tpu.memref_slice %arg1[%add3A_14] : memref<102400000xf32, #tpu.memory_space<any>> -> memref<1024000xf32, #tpu.memory_space<any>>
    tpu.enqueue_dma source(%arg3 : memref<1024000xf32, #tpu.memory_space<vmem>>) target(%dma_start3A_15 : memref<1024000xf32, #tpu.memory_space<any>>) target_semaphore(%arg4 : memref<!tpu.dma_semaphore, #tpu.memory_space<semaphore_mem>>)
    %add3A_16 = arith.constant 4096000 : i32
    %add3A_17 = arith.addi %mul3A_5, %add3A_16 : i32
    %dma_start3A_18 = tpu.memref_slice %arg1[%add3A_17] : memref<102400000xf32, #tpu.memory_space<any>> -> memref<1024000xf32, #tpu.memory_space<any>>
    tpu.enqueue_dma source(%arg3 : memref<1024000xf32, #tpu.memory_space<vmem>>) target(%dma_start3A_18 : memref<1024000xf32, #tpu.memory_space<any>>) target_semaphore(%arg4 : memref<!tpu.dma_semaphore, #tpu.memory_space<semaphore_mem>>)
    %add3A_19 = arith.constant 5120000 : i32
    %add3A_20 = arith.addi %mul3A_5, %add3A_19 : i32
    %dma_start3A_21 = tpu.memref_slice %arg1[%add3A_20] : memref<102400000xf32, #tpu.memory_space<any>> -> memref<1024000xf32, #tpu.memory_space<any>>
    tpu.enqueue_dma source(%arg3 : memref<1024000xf32, #tpu.memory_space<vmem>>) target(%dma_start3A_21 : memref<1024000xf32, #tpu.memory_space<any>>) target_semaphore(%arg4 : memref<!tpu.dma_semaphore, #tpu.memory_space<semaphore_mem>>)
    %add3A_22 = arith.constant 6144000 : i32
    %add3A_23 = arith.addi %mul3A_5, %add3A_22 : i32
    %dma_start3A_24 = tpu.memref_slice %arg1[%add3A_23] : memref<102400000xf32, #tpu.memory_space<any>> -> memref<1024000xf32, #tpu.memory_space<any>>
    tpu.enqueue_dma source(%arg3 : memref<1024000xf32, #tpu.memory_space<vmem>>) target(%dma_start3A_24 : memref<1024000xf32, #tpu.memory_space<any>>) target_semaphore(%arg4 : memref<!tpu.dma_semaphore, #tpu.memory_space<semaphore_mem>>)
    %add3A_25 = arith.constant 7168000 : i32
    %add3A_26 = arith.addi %mul3A_5, %add3A_25 : i32
    %dma_start3A_27 = tpu.memref_slice %arg1[%add3A_26] : memref<102400000xf32, #tpu.memory_space<any>> -> memref<1024000xf32, #tpu.memory_space<any>>
    tpu.enqueue_dma source(%arg3 : memref<1024000xf32, #tpu.memory_space<vmem>>) target(%dma_start3A_27 : memref<1024000xf32, #tpu.memory_space<any>>) target_semaphore(%arg4 : memref<!tpu.dma_semaphore, #tpu.memory_space<semaphore_mem>>)
    %add3A_28 = arith.constant 8192000 : i32
    %add3A_29 = arith.addi %mul3A_5, %add3A_28 : i32
    %dma_start3A_30 = tpu.memref_slice %arg1[%add3A_29] : memref<102400000xf32, #tpu.memory_space<any>> -> memref<1024000xf32, #tpu.memory_space<any>>
    tpu.enqueue_dma source(%arg3 : memref<1024000xf32, #tpu.memory_space<vmem>>) target(%dma_start3A_30 : memref<1024000xf32, #tpu.memory_space<any>>) target_semaphore(%arg4 : memref<!tpu.dma_semaphore, #tpu.memory_space<semaphore_mem>>)
    %add3A_31 = arith.constant 9216000 : i32
    %add3A_32 = arith.addi %mul3A_5, %add3A_31 : i32
    %dma_start3A_33 = tpu.memref_slice %arg1[%add3A_32] : memref<102400000xf32, #tpu.memory_space<any>> -> memref<1024000xf32, #tpu.memory_space<any>>
    tpu.enqueue_dma source(%arg3 : memref<1024000xf32, #tpu.memory_space<vmem>>) target(%dma_start3A_33 : memref<1024000xf32, #tpu.memory_space<any>>) target_semaphore(%arg4 : memref<!tpu.dma_semaphore, #tpu.memory_space<semaphore_mem>>)
    %add3A_34 = arith.constant 10240000 : i32
    %add3A_35 = arith.addi %mul3A_5, %add3A_34 : i32
    %dma_start3A_36 = tpu.memref_slice %arg1[%add3A_35] : memref<102400000xf32, #tpu.memory_space<any>> -> memref<1024000xf32, #tpu.memory_space<any>>
    tpu.enqueue_dma source(%arg3 : memref<1024000xf32, #tpu.memory_space<vmem>>) target(%dma_start3A_36 : memref<1024000xf32, #tpu.memory_space<any>>) target_semaphore(%arg4 : memref<!tpu.dma_semaphore, #tpu.memory_space<semaphore_mem>>)
    %add3A_37 = arith.constant 11264000 : i32
    %add3A_38 = arith.addi %mul3A_5, %add3A_37 : i32
    %dma_start3A_39 = tpu.memref_slice %arg1[%add3A_38] : memref<102400000xf32, #tpu.memory_space<any>> -> memref<1024000xf32, #tpu.memory_space<any>>
    tpu.enqueue_dma source(%arg3 : memref<1024000xf32, #tpu.memory_space<vmem>>) target(%dma_start3A_39 : memref<1024000xf32, #tpu.memory_space<any>>) target_semaphore(%arg4 : memref<!tpu.dma_semaphore, #tpu.memory_space<semaphore_mem>>)
    %add3A_40 = arith.constant 12288000 : i32
    %add3A_41 = arith.addi %mul3A_5, %add3A_40 : i32
    %dma_start3A_42 = tpu.memref_slice %arg1[%add3A_41] : memref<102400000xf32, #tpu.memory_space<any>> -> memref<1024000xf32, #tpu.memory_space<any>>
    tpu.enqueue_dma source(%arg3 : memref<1024000xf32, #tpu.memory_space<vmem>>) target(%dma_start3A_42 : memref<1024000xf32, #tpu.memory_space<any>>) target_semaphore(%arg4 : memref<!tpu.dma_semaphore, #tpu.memory_space<semaphore_mem>>)
    %add3A_43 = arith.constant 13312000 : i32
    %add3A_44 = arith.addi %mul3A_5, %add3A_43 : i32
    %dma_start3A_45 = tpu.memref_slice %arg1[%add3A_44] : memref<102400000xf32, #tpu.memory_space<any>> -> memref<1024000xf32, #tpu.memory_space<any>>
    tpu.enqueue_dma source(%arg3 : memref<1024000xf32, #tpu.memory_space<vmem>>) target(%dma_start3A_45 : memref<1024000xf32, #tpu.memory_space<any>>) target_semaphore(%arg4 : memref<!tpu.dma_semaphore, #tpu.memory_space<semaphore_mem>>)
    %add3A_46 = arith.constant 14336000 : i32
    %add3A_47 = arith.addi %mul3A_5, %add3A_46 : i32
    %dma_start3A_48 = tpu.memref_slice %arg1[%add3A_47] : memref<102400000xf32, #tpu.memory_space<any>> -> memref<1024000xf32, #tpu.memory_space<any>>
    tpu.enqueue_dma source(%arg3 : memref<1024000xf32, #tpu.memory_space<vmem>>) target(%dma_start3A_48 : memref<1024000xf32, #tpu.memory_space<any>>) target_semaphore(%arg4 : memref<!tpu.dma_semaphore, #tpu.memory_space<semaphore_mem>>)
    %add3A_49 = arith.constant 15360000 : i32
    %add3A_50 = arith.addi %mul3A_5, %add3A_49 : i32
    %dma_start3A_51 = tpu.memref_slice %arg1[%add3A_50] : memref<102400000xf32, #tpu.memory_space<any>> -> memref<1024000xf32, #tpu.memory_space<any>>
    tpu.enqueue_dma source(%arg3 : memref<1024000xf32, #tpu.memory_space<vmem>>) target(%dma_start3A_51 : memref<1024000xf32, #tpu.memory_space<any>>) target_semaphore(%arg4 : memref<!tpu.dma_semaphore, #tpu.memory_space<semaphore_mem>>)
    %add3A_52 = arith.constant 16384000 : i32
    %add3A_53 = arith.addi %mul3A_5, %add3A_52 : i32
    %dma_start3A_54 = tpu.memref_slice %arg1[%add3A_53] : memref<102400000xf32, #tpu.memory_space<any>> -> memref<1024000xf32, #tpu.memory_space<any>>
    tpu.enqueue_dma source(%arg3 : memref<1024000xf32, #tpu.memory_space<vmem>>) target(%dma_start3A_54 : memref<1024000xf32, #tpu.memory_space<any>>) target_semaphore(%arg4 : memref<!tpu.dma_semaphore, #tpu.memory_space<semaphore_mem>>)
    %add3A_55 = arith.constant 17408000 : i32
    %add3A_56 = arith.addi %mul3A_5, %add3A_55 : i32
    %dma_start3A_57 = tpu.memref_slice %arg1[%add3A_56] : memref<102400000xf32, #tpu.memory_space<any>> -> memref<1024000xf32, #tpu.memory_space<any>>
    tpu.enqueue_dma source(%arg3 : memref<1024000xf32, #tpu.memory_space<vmem>>) target(%dma_start3A_57 : memref<1024000xf32, #tpu.memory_space<any>>) target_semaphore(%arg4 : memref<!tpu.dma_semaphore, #tpu.memory_space<semaphore_mem>>)
    %add3A_58 = arith.constant 18432000 : i32
    %add3A_59 = arith.addi %mul3A_5, %add3A_58 : i32
    %dma_start3A_60 = tpu.memref_slice %arg1[%add3A_59] : memref<102400000xf32, #tpu.memory_space<any>> -> memref<1024000xf32, #tpu.memory_space<any>>
    tpu.enqueue_dma source(%arg3 : memref<1024000xf32, #tpu.memory_space<vmem>>) target(%dma_start3A_60 : memref<1024000xf32, #tpu.memory_space<any>>) target_semaphore(%arg4 : memref<!tpu.dma_semaphore, #tpu.memory_space<semaphore_mem>>)
    %add3A_61 = arith.constant 19456000 : i32
    %add3A_62 = arith.addi %mul3A_5, %add3A_61 : i32
    %dma_start3A_63 = tpu.memref_slice %arg1[%add3A_62] : memref<102400000xf32, #tpu.memory_space<any>> -> memref<1024000xf32, #tpu.memory_space<any>>
    tpu.enqueue_dma source(%arg3 : memref<1024000xf32, #tpu.memory_space<vmem>>) target(%dma_start3A_63 : memref<1024000xf32, #tpu.memory_space<any>>) target_semaphore(%arg4 : memref<!tpu.dma_semaphore, #tpu.memory_space<semaphore_mem>>)
    %add3A_64 = arith.constant 20480000 : i32
    %add3A_65 = arith.addi %mul3A_5, %add3A_64 : i32
    %dma_start3A_66 = tpu.memref_slice %arg1[%add3A_65] : memref<102400000xf32, #tpu.memory_space<any>> -> memref<1024000xf32, #tpu.memory_space<any>>
    tpu.enqueue_dma source(%arg3 : memref<1024000xf32, #tpu.memory_space<vmem>>) target(%dma_start3A_66 : memref<1024000xf32, #tpu.memory_space<any>>) target_semaphore(%arg4 : memref<!tpu.dma_semaphore, #tpu.memory_space<semaphore_mem>>)
    %add3A_67 = arith.constant 21504000 : i32
    %add3A_68 = arith.addi %mul3A_5, %add3A_67 : i32
    %dma_start3A_69 = tpu.memref_slice %arg1[%add3A_68] : memref<102400000xf32, #tpu.memory_space<any>> -> memref<1024000xf32, #tpu.memory_space<any>>
    tpu.enqueue_dma source(%arg3 : memref<1024000xf32, #tpu.memory_space<vmem>>) target(%dma_start3A_69 : memref<1024000xf32, #tpu.memory_space<any>>) target_semaphore(%arg4 : memref<!tpu.dma_semaphore, #tpu.memory_space<semaphore_mem>>)
    %add3A_70 = arith.constant 22528000 : i32
    %add3A_71 = arith.addi %mul3A_5, %add3A_70 : i32
    %dma_start3A_72 = tpu.memref_slice %arg1[%add3A_71] : memref<102400000xf32, #tpu.memory_space<any>> -> memref<1024000xf32, #tpu.memory_space<any>>
    tpu.enqueue_dma source(%arg3 : memref<1024000xf32, #tpu.memory_space<vmem>>) target(%dma_start3A_72 : memref<1024000xf32, #tpu.memory_space<any>>) target_semaphore(%arg4 : memref<!tpu.dma_semaphore, #tpu.memory_space<semaphore_mem>>)
    %add3A_73 = arith.constant 23552000 : i32
    %add3A_74 = arith.addi %mul3A_5, %add3A_73 : i32
    %dma_start3A_75 = tpu.memref_slice %arg1[%add3A_74] : memref<102400000xf32, #tpu.memory_space<any>> -> memref<1024000xf32, #tpu.memory_space<any>>
    tpu.enqueue_dma source(%arg3 : memref<1024000xf32, #tpu.memory_space<vmem>>) target(%dma_start3A_75 : memref<1024000xf32, #tpu.memory_space<any>>) target_semaphore(%arg4 : memref<!tpu.dma_semaphore, #tpu.memory_space<semaphore_mem>>)
    %add3A_76 = arith.constant 24576000 : i32
    %add3A_77 = arith.addi %mul3A_5, %add3A_76 : i32
    %dma_start3A_78 = tpu.memref_slice %arg1[%add3A_77] : memref<102400000xf32, #tpu.memory_space<any>> -> memref<1024000xf32, #tpu.memory_space<any>>
    tpu.enqueue_dma source(%arg3 : memref<1024000xf32, #tpu.memory_space<vmem>>) target(%dma_start3A_78 : memref<1024000xf32, #tpu.memory_space<any>>) target_semaphore(%arg4 : memref<!tpu.dma_semaphore, #tpu.memory_space<semaphore_mem>>)
    %add3A_79 = arith.constant 25600000 : i32
    %add3A_80 = arith.addi %mul3A_5, %add3A_79 : i32
    %dma_start3A_81 = tpu.memref_slice %arg1[%add3A_80] : memref<102400000xf32, #tpu.memory_space<any>> -> memref<1024000xf32, #tpu.memory_space<any>>
    tpu.enqueue_dma source(%arg3 : memref<1024000xf32, #tpu.memory_space<vmem>>) target(%dma_start3A_81 : memref<1024000xf32, #tpu.memory_space<any>>) target_semaphore(%arg4 : memref<!tpu.dma_semaphore, #tpu.memory_space<semaphore_mem>>)
    %add3A_82 = arith.constant 26624000 : i32
    %add3A_83 = arith.addi %mul3A_5, %add3A_82 : i32
    %dma_start3A_84 = tpu.memref_slice %arg1[%add3A_83] : memref<102400000xf32, #tpu.memory_space<any>> -> memref<1024000xf32, #tpu.memory_space<any>>
    tpu.enqueue_dma source(%arg3 : memref<1024000xf32, #tpu.memory_space<vmem>>) target(%dma_start3A_84 : memref<1024000xf32, #tpu.memory_space<any>>) target_semaphore(%arg4 : memref<!tpu.dma_semaphore, #tpu.memory_space<semaphore_mem>>)
    %add3A_85 = arith.constant 27648000 : i32
    %add3A_86 = arith.addi %mul3A_5, %add3A_85 : i32
    %dma_start3A_87 = tpu.memref_slice %arg1[%add3A_86] : memref<102400000xf32, #tpu.memory_space<any>> -> memref<1024000xf32, #tpu.memory_space<any>>
    tpu.enqueue_dma source(%arg3 : memref<1024000xf32, #tpu.memory_space<vmem>>) target(%dma_start3A_87 : memref<1024000xf32, #tpu.memory_space<any>>) target_semaphore(%arg4 : memref<!tpu.dma_semaphore, #tpu.memory_space<semaphore_mem>>)
    %add3A_88 = arith.constant 28672000 : i32
    %add3A_89 = arith.addi %mul3A_5, %add3A_88 : i32
    %dma_start3A_90 = tpu.memref_slice %arg1[%add3A_89] : memref<102400000xf32, #tpu.memory_space<any>> -> memref<1024000xf32, #tpu.memory_space<any>>
    tpu.enqueue_dma source(%arg3 : memref<1024000xf32, #tpu.memory_space<vmem>>) target(%dma_start3A_90 : memref<1024000xf32, #tpu.memory_space<any>>) target_semaphore(%arg4 : memref<!tpu.dma_semaphore, #tpu.memory_space<semaphore_mem>>)
    %add3A_91 = arith.constant 29696000 : i32
    %add3A_92 = arith.addi %mul3A_5, %add3A_91 : i32
    %dma_start3A_93 = tpu.memref_slice %arg1[%add3A_92] : memref<102400000xf32, #tpu.memory_space<any>> -> memref<1024000xf32, #tpu.memory_space<any>>
    tpu.enqueue_dma source(%arg3 : memref<1024000xf32, #tpu.memory_space<vmem>>) target(%dma_start3A_93 : memref<1024000xf32, #tpu.memory_space<any>>) target_semaphore(%arg4 : memref<!tpu.dma_semaphore, #tpu.memory_space<semaphore_mem>>)
    %add3A_94 = arith.constant 30720000 : i32
    %add3A_95 = arith.addi %mul3A_5, %add3A_94 : i32
    %dma_start3A_96 = tpu.memref_slice %arg1[%add3A_95] : memref<102400000xf32, #tpu.memory_space<any>> -> memref<1024000xf32, #tpu.memory_space<any>>
    tpu.enqueue_dma source(%arg3 : memref<1024000xf32, #tpu.memory_space<vmem>>) target(%dma_start3A_96 : memref<1024000xf32, #tpu.memory_space<any>>) target_semaphore(%arg4 : memref<!tpu.dma_semaphore, #tpu.memory_space<semaphore_mem>>)
    %add3A_97 = arith.constant 31744000 : i32
    %add3A_98 = arith.addi %mul3A_5, %add3A_97 : i32
    %dma_start3A_99 = tpu.memref_slice %arg1[%add3A_98] : memref<102400000xf32, #tpu.memory_space<any>> -> memref<1024000xf32, #tpu.memory_space<any>>
    tpu.enqueue_dma source(%arg3 : memref<1024000xf32, #tpu.memory_space<vmem>>) target(%dma_start3A_99 : memref<1024000xf32, #tpu.memory_space<any>>) target_semaphore(%arg4 : memref<!tpu.dma_semaphore, #tpu.memory_space<semaphore_mem>>)
    %add3A_100 = arith.constant 32768000 : i32
    %add3A_101 = arith.addi %mul3A_5, %add3A_100 : i32
    %dma_start3A_102 = tpu.memref_slice %arg1[%add3A_101] : memref<102400000xf32, #tpu.memory_space<any>> -> memref<1024000xf32, #tpu.memory_space<any>>
    tpu.enqueue_dma source(%arg3 : memref<1024000xf32, #tpu.memory_space<vmem>>) target(%dma_start3A_102 : memref<1024000xf32, #tpu.memory_space<any>>) target_semaphore(%arg4 : memref<!tpu.dma_semaphore, #tpu.memory_space<semaphore_mem>>)
    %add3A_103 = arith.constant 33792000 : i32
    %add3A_104 = arith.addi %mul3A_5, %add3A_103 : i32
    %dma_start3A_105 = tpu.memref_slice %arg1[%add3A_104] : memref<102400000xf32, #tpu.memory_space<any>> -> memref<1024000xf32, #tpu.memory_space<any>>
    tpu.enqueue_dma source(%arg3 : memref<1024000xf32, #tpu.memory_space<vmem>>) target(%dma_start3A_105 : memref<1024000xf32, #tpu.memory_space<any>>) target_semaphore(%arg4 : memref<!tpu.dma_semaphore, #tpu.memory_space<semaphore_mem>>)
    %add3A_106 = arith.constant 34816000 : i32
    %add3A_107 = arith.addi %mul3A_5, %add3A_106 : i32
    %dma_start3A_108 = tpu.memref_slice %arg1[%add3A_107] : memref<102400000xf32, #tpu.memory_space<any>> -> memref<1024000xf32, #tpu.memory_space<any>>
    tpu.enqueue_dma source(%arg3 : memref<1024000xf32, #tpu.memory_space<vmem>>) target(%dma_start3A_108 : memref<1024000xf32, #tpu.memory_space<any>>) target_semaphore(%arg4 : memref<!tpu.dma_semaphore, #tpu.memory_space<semaphore_mem>>)
    %add3A_109 = arith.constant 35840000 : i32
    %add3A_110 = arith.addi %mul3A_5, %add3A_109 : i32
    %dma_start3A_111 = tpu.memref_slice %arg1[%add3A_110] : memref<102400000xf32, #tpu.memory_space<any>> -> memref<1024000xf32, #tpu.memory_space<any>>
    tpu.enqueue_dma source(%arg3 : memref<1024000xf32, #tpu.memory_space<vmem>>) target(%dma_start3A_111 : memref<1024000xf32, #tpu.memory_space<any>>) target_semaphore(%arg4 : memref<!tpu.dma_semaphore, #tpu.memory_space<semaphore_mem>>)
    %add3A_112 = arith.constant 36864000 : i32
    %add3A_113 = arith.addi %mul3A_5, %add3A_112 : i32
    %dma_start3A_114 = tpu.memref_slice %arg1[%add3A_113] : memref<102400000xf32, #tpu.memory_space<any>> -> memref<1024000xf32, #tpu.memory_space<any>>
    tpu.enqueue_dma source(%arg3 : memref<1024000xf32, #tpu.memory_space<vmem>>) target(%dma_start3A_114 : memref<1024000xf32, #tpu.memory_space<any>>) target_semaphore(%arg4 : memref<!tpu.dma_semaphore, #tpu.memory_space<semaphore_mem>>)
    %add3A_115 = arith.constant 37888000 : i32
    %add3A_116 = arith.addi %mul3A_5, %add3A_115 : i32
    %dma_start3A_117 = tpu.memref_slice %arg1[%add3A_116] : memref<102400000xf32, #tpu.memory_space<any>> -> memref<1024000xf32, #tpu.memory_space<any>>
    tpu.enqueue_dma source(%arg3 : memref<1024000xf32, #tpu.memory_space<vmem>>) target(%dma_start3A_117 : memref<1024000xf32, #tpu.memory_space<any>>) target_semaphore(%arg4 : memref<!tpu.dma_semaphore, #tpu.memory_space<semaphore_mem>>)
    %add3A_118 = arith.constant 38912000 : i32
    %add3A_119 = arith.addi %mul3A_5, %add3A_118 : i32
    %dma_start3A_120 = tpu.memref_slice %arg1[%add3A_119] : memref<102400000xf32, #tpu.memory_space<any>> -> memref<1024000xf32, #tpu.memory_space<any>>
    tpu.enqueue_dma source(%arg3 : memref<1024000xf32, #tpu.memory_space<vmem>>) target(%dma_start3A_120 : memref<1024000xf32, #tpu.memory_space<any>>) target_semaphore(%arg4 : memref<!tpu.dma_semaphore, #tpu.memory_space<semaphore_mem>>)
    %add3A_121 = arith.constant 39936000 : i32
    %add3A_122 = arith.addi %mul3A_5, %add3A_121 : i32
    %dma_start3A_123 = tpu.memref_slice %arg1[%add3A_122] : memref<102400000xf32, #tpu.memory_space<any>> -> memref<1024000xf32, #tpu.memory_space<any>>
    tpu.enqueue_dma source(%arg3 : memref<1024000xf32, #tpu.memory_space<vmem>>) target(%dma_start3A_123 : memref<1024000xf32, #tpu.memory_space<any>>) target_semaphore(%arg4 : memref<!tpu.dma_semaphore, #tpu.memory_space<semaphore_mem>>)
    %add3A_124 = arith.constant 40960000 : i32
    %add3A_125 = arith.addi %mul3A_5, %add3A_124 : i32
    %dma_start3A_126 = tpu.memref_slice %arg1[%add3A_125] : memref<102400000xf32, #tpu.memory_space<any>> -> memref<1024000xf32, #tpu.memory_space<any>>
    tpu.enqueue_dma source(%arg3 : memref<1024000xf32, #tpu.memory_space<vmem>>) target(%dma_start3A_126 : memref<1024000xf32, #tpu.memory_space<any>>) target_semaphore(%arg4 : memref<!tpu.dma_semaphore, #tpu.memory_space<semaphore_mem>>)
    %add3A_127 = arith.constant 41984000 : i32
    %add3A_128 = arith.addi %mul3A_5, %add3A_127 : i32
    %dma_start3A_129 = tpu.memref_slice %arg1[%add3A_128] : memref<102400000xf32, #tpu.memory_space<any>> -> memref<1024000xf32, #tpu.memory_space<any>>
    tpu.enqueue_dma source(%arg3 : memref<1024000xf32, #tpu.memory_space<vmem>>) target(%dma_start3A_129 : memref<1024000xf32, #tpu.memory_space<any>>) target_semaphore(%arg4 : memref<!tpu.dma_semaphore, #tpu.memory_space<semaphore_mem>>)
    %add3A_130 = arith.constant 43008000 : i32
    %add3A_131 = arith.addi %mul3A_5, %add3A_130 : i32
    %dma_start3A_132 = tpu.memref_slice %arg1[%add3A_131] : memref<102400000xf32, #tpu.memory_space<any>> -> memref<1024000xf32, #tpu.memory_space<any>>
    tpu.enqueue_dma source(%arg3 : memref<1024000xf32, #tpu.memory_space<vmem>>) target(%dma_start3A_132 : memref<1024000xf32, #tpu.memory_space<any>>) target_semaphore(%arg4 : memref<!tpu.dma_semaphore, #tpu.memory_space<semaphore_mem>>)
    %add3A_133 = arith.constant 44032000 : i32
    %add3A_134 = arith.addi %mul3A_5, %add3A_133 : i32
    %dma_start3A_135 = tpu.memref_slice %arg1[%add3A_134] : memref<102400000xf32, #tpu.memory_space<any>> -> memref<1024000xf32, #tpu.memory_space<any>>
    tpu.enqueue_dma source(%arg3 : memref<1024000xf32, #tpu.memory_space<vmem>>) target(%dma_start3A_135 : memref<1024000xf32, #tpu.memory_space<any>>) target_semaphore(%arg4 : memref<!tpu.dma_semaphore, #tpu.memory_space<semaphore_mem>>)
    %add3A_136 = arith.constant 45056000 : i32
    %add3A_137 = arith.addi %mul3A_5, %add3A_136 : i32
    %dma_start3A_138 = tpu.memref_slice %arg1[%add3A_137] : memref<102400000xf32, #tpu.memory_space<any>> -> memref<1024000xf32, #tpu.memory_space<any>>
    tpu.enqueue_dma source(%arg3 : memref<1024000xf32, #tpu.memory_space<vmem>>) target(%dma_start3A_138 : memref<1024000xf32, #tpu.memory_space<any>>) target_semaphore(%arg4 : memref<!tpu.dma_semaphore, #tpu.memory_space<semaphore_mem>>)
    %add3A_139 = arith.constant 46080000 : i32
    %add3A_140 = arith.addi %mul3A_5, %add3A_139 : i32
    %dma_start3A_141 = tpu.memref_slice %arg1[%add3A_140] : memref<102400000xf32, #tpu.memory_space<any>> -> memref<1024000xf32, #tpu.memory_space<any>>
    tpu.enqueue_dma source(%arg3 : memref<1024000xf32, #tpu.memory_space<vmem>>) target(%dma_start3A_141 : memref<1024000xf32, #tpu.memory_space<any>>) target_semaphore(%arg4 : memref<!tpu.dma_semaphore, #tpu.memory_space<semaphore_mem>>)
    %add3A_142 = arith.constant 47104000 : i32
    %add3A_143 = arith.addi %mul3A_5, %add3A_142 : i32
    %dma_start3A_144 = tpu.memref_slice %arg1[%add3A_143] : memref<102400000xf32, #tpu.memory_space<any>> -> memref<1024000xf32, #tpu.memory_space<any>>
    tpu.enqueue_dma source(%arg3 : memref<1024000xf32, #tpu.memory_space<vmem>>) target(%dma_start3A_144 : memref<1024000xf32, #tpu.memory_space<any>>) target_semaphore(%arg4 : memref<!tpu.dma_semaphore, #tpu.memory_space<semaphore_mem>>)
    %add3A_145 = arith.constant 48128000 : i32
    %add3A_146 = arith.addi %mul3A_5, %add3A_145 : i32
    %dma_start3A_147 = tpu.memref_slice %arg1[%add3A_146] : memref<102400000xf32, #tpu.memory_space<any>> -> memref<1024000xf32, #tpu.memory_space<any>>
    tpu.enqueue_dma source(%arg3 : memref<1024000xf32, #tpu.memory_space<vmem>>) target(%dma_start3A_147 : memref<1024000xf32, #tpu.memory_space<any>>) target_semaphore(%arg4 : memref<!tpu.dma_semaphore, #tpu.memory_space<semaphore_mem>>)
    %add3A_148 = arith.constant 49152000 : i32
    %add3A_149 = arith.addi %mul3A_5, %add3A_148 : i32
    %dma_start3A_150 = tpu.memref_slice %arg1[%add3A_149] : memref<102400000xf32, #tpu.memory_space<any>> -> memref<1024000xf32, #tpu.memory_space<any>>
    tpu.enqueue_dma source(%arg3 : memref<1024000xf32, #tpu.memory_space<vmem>>) target(%dma_start3A_150 : memref<1024000xf32, #tpu.memory_space<any>>) target_semaphore(%arg4 : memref<!tpu.dma_semaphore, #tpu.memory_space<semaphore_mem>>)
    %add3A_151 = arith.constant 50176000 : i32
    %add3A_152 = arith.addi %mul3A_5, %add3A_151 : i32
    %dma_start3A_153 = tpu.memref_slice %arg1[%add3A_152] : memref<102400000xf32, #tpu.memory_space<any>> -> memref<1024000xf32, #tpu.memory_space<any>>
    tpu.enqueue_dma source(%arg3 : memref<1024000xf32, #tpu.memory_space<vmem>>) target(%dma_start3A_153 : memref<1024000xf32, #tpu.memory_space<any>>) target_semaphore(%arg4 : memref<!tpu.dma_semaphore, #tpu.memory_space<semaphore_mem>>)
    %dma_wait3A = tpu.memref_slice %arg1[%mul3A_5] : memref<102400000xf32, #tpu.memory_space<any>> -> memref<1024000xf32, #tpu.memory_space<any>>
    tpu.wait_dma2 semaphore(%arg4 : memref<!tpu.dma_semaphore, #tpu.memory_space<semaphore_mem>>) src(%arg3 : memref<1024000xf32, #tpu.memory_space<vmem>>) dst(%dma_wait3A : memref<1024000xf32, #tpu.memory_space<any>>)
    %dma_wait3A_154 = tpu.memref_slice %arg1[%mul3A_5] : memref<102400000xf32, #tpu.memory_space<any>> -> memref<1024000xf32, #tpu.memory_space<any>>
    tpu.wait_dma2 semaphore(%arg4 : memref<!tpu.dma_semaphore, #tpu.memory_space<semaphore_mem>>) src(%arg3 : memref<1024000xf32, #tpu.memory_space<vmem>>) dst(%dma_wait3A_154 : memref<1024000xf32, #tpu.memory_space<any>>)
    %dma_wait3A_155 = tpu.memref_slice %arg1[%mul3A_5] : memref<102400000xf32, #tpu.memory_space<any>> -> memref<1024000xf32, #tpu.memory_space<any>>
    tpu.wait_dma2 semaphore(%arg4 : memref<!tpu.dma_semaphore, #tpu.memory_space<semaphore_mem>>) src(%arg3 : memref<1024000xf32, #tpu.memory_space<vmem>>) dst(%dma_wait3A_155 : memref<1024000xf32, #tpu.memory_space<any>>)
    %dma_wait3A_156 = tpu.memref_slice %arg1[%mul3A_5] : memref<102400000xf32, #tpu.memory_space<any>> -> memref<1024000xf32, #tpu.memory_space<any>>
    tpu.wait_dma2 semaphore(%arg4 : memref<!tpu.dma_semaphore, #tpu.memory_space<semaphore_mem>>) src(%arg3 : memref<1024000xf32, #tpu.memory_space<vmem>>) dst(%dma_wait3A_156 : memref<1024000xf32, #tpu.memory_space<any>>)
    %dma_wait3A_157 = tpu.memref_slice %arg1[%mul3A_5] : memref<102400000xf32, #tpu.memory_space<any>> -> memref<1024000xf32, #tpu.memory_space<any>>
    tpu.wait_dma2 semaphore(%arg4 : memref<!tpu.dma_semaphore, #tpu.memory_space<semaphore_mem>>) src(%arg3 : memref<1024000xf32, #tpu.memory_space<vmem>>) dst(%dma_wait3A_157 : memref<1024000xf32, #tpu.memory_space<any>>)
    %dma_wait3A_158 = tpu.memref_slice %arg1[%mul3A_5] : memref<102400000xf32, #tpu.memory_space<any>> -> memref<1024000xf32, #tpu.memory_space<any>>
    tpu.wait_dma2 semaphore(%arg4 : memref<!tpu.dma_semaphore, #tpu.memory_space<semaphore_mem>>) src(%arg3 : memref<1024000xf32, #tpu.memory_space<vmem>>) dst(%dma_wait3A_158 : memref<1024000xf32, #tpu.memory_space<any>>)
    %dma_wait3A_159 = tpu.memref_slice %arg1[%mul3A_5] : memref<102400000xf32, #tpu.memory_space<any>> -> memref<1024000xf32, #tpu.memory_space<any>>
    tpu.wait_dma2 semaphore(%arg4 : memref<!tpu.dma_semaphore, #tpu.memory_space<semaphore_mem>>) src(%arg3 : memref<1024000xf32, #tpu.memory_space<vmem>>) dst(%dma_wait3A_159 : memref<1024000xf32, #tpu.memory_space<any>>)
    %dma_wait3A_160 = tpu.memref_slice %arg1[%mul3A_5] : memref<102400000xf32, #tpu.memory_space<any>> -> memref<1024000xf32, #tpu.memory_space<any>>
    tpu.wait_dma2 semaphore(%arg4 : memref<!tpu.dma_semaphore, #tpu.memory_space<semaphore_mem>>) src(%arg3 : memref<1024000xf32, #tpu.memory_space<vmem>>) dst(%dma_wait3A_160 : memref<1024000xf32, #tpu.memory_space<any>>)
    %dma_wait3A_161 = tpu.memref_slice %arg1[%mul3A_5] : memref<102400000xf32, #tpu.memory_space<any>> -> memref<1024000xf32, #tpu.memory_space<any>>
    tpu.wait_dma2 semaphore(%arg4 : memref<!tpu.dma_semaphore, #tpu.memory_space<semaphore_mem>>) src(%arg3 : memref<1024000xf32, #tpu.memory_space<vmem>>) dst(%dma_wait3A_161 : memref<1024000xf32, #tpu.memory_space<any>>)
    %dma_wait3A_162 = tpu.memref_slice %arg1[%mul3A_5] : memref<102400000xf32, #tpu.memory_space<any>> -> memref<1024000xf32, #tpu.memory_space<any>>
    tpu.wait_dma2 semaphore(%arg4 : memref<!tpu.dma_semaphore, #tpu.memory_space<semaphore_mem>>) src(%arg3 : memref<1024000xf32, #tpu.memory_space<vmem>>) dst(%dma_wait3A_162 : memref<1024000xf32, #tpu.memory_space<any>>)
    %dma_wait3A_163 = tpu.memref_slice %arg1[%mul3A_5] : memref<102400000xf32, #tpu.memory_space<any>> -> memref<1024000xf32, #tpu.memory_space<any>>
    tpu.wait_dma2 semaphore(%arg4 : memref<!tpu.dma_semaphore, #tpu.memory_space<semaphore_mem>>) src(%arg3 : memref<1024000xf32, #tpu.memory_space<vmem>>) dst(%dma_wait3A_163 : memref<1024000xf32, #tpu.memory_space<any>>)
    %dma_wait3A_164 = tpu.memref_slice %arg1[%mul3A_5] : memref<102400000xf32, #tpu.memory_space<any>> -> memref<1024000xf32, #tpu.memory_space<any>>
    tpu.wait_dma2 semaphore(%arg4 : memref<!tpu.dma_semaphore, #tpu.memory_space<semaphore_mem>>) src(%arg3 : memref<1024000xf32, #tpu.memory_space<vmem>>) dst(%dma_wait3A_164 : memref<1024000xf32, #tpu.memory_space<any>>)
    %dma_wait3A_165 = tpu.memref_slice %arg1[%mul3A_5] : memref<102400000xf32, #tpu.memory_space<any>> -> memref<1024000xf32, #tpu.memory_space<any>>
    tpu.wait_dma2 semaphore(%arg4 : memref<!tpu.dma_semaphore, #tpu.memory_space<semaphore_mem>>) src(%arg3 : memref<1024000xf32, #tpu.memory_space<vmem>>) dst(%dma_wait3A_165 : memref<1024000xf32, #tpu.memory_space<any>>)
    %dma_wait3A_166 = tpu.memref_slice %arg1[%mul3A_5] : memref<102400000xf32, #tpu.memory_space<any>> -> memref<1024000xf32, #tpu.memory_space<any>>
    tpu.wait_dma2 semaphore(%arg4 : memref<!tpu.dma_semaphore, #tpu.memory_space<semaphore_mem>>) src(%arg3 : memref<1024000xf32, #tpu.memory_space<vmem>>) dst(%dma_wait3A_166 : memref<1024000xf32, #tpu.memory_space<any>>)
    %dma_wait3A_167 = tpu.memref_slice %arg1[%mul3A_5] : memref<102400000xf32, #tpu.memory_space<any>> -> memref<1024000xf32, #tpu.memory_space<any>>
    tpu.wait_dma2 semaphore(%arg4 : memref<!tpu.dma_semaphore, #tpu.memory_space<semaphore_mem>>) src(%arg3 : memref<1024000xf32, #tpu.memory_space<vmem>>) dst(%dma_wait3A_167 : memref<1024000xf32, #tpu.memory_space<any>>)
    %dma_wait3A_168 = tpu.memref_slice %arg1[%mul3A_5] : memref<102400000xf32, #tpu.memory_space<any>> -> memref<1024000xf32, #tpu.memory_space<any>>
    tpu.wait_dma2 semaphore(%arg4 : memref<!tpu.dma_semaphore, #tpu.memory_space<semaphore_mem>>) src(%arg3 : memref<1024000xf32, #tpu.memory_space<vmem>>) dst(%dma_wait3A_168 : memref<1024000xf32, #tpu.memory_space<any>>)
    %dma_wait3A_169 = tpu.memref_slice %arg1[%mul3A_5] : memref<102400000xf32, #tpu.memory_space<any>> -> memref<1024000xf32, #tpu.memory_space<any>>
    tpu.wait_dma2 semaphore(%arg4 : memref<!tpu.dma_semaphore, #tpu.memory_space<semaphore_mem>>) src(%arg3 : memref<1024000xf32, #tpu.memory_space<vmem>>) dst(%dma_wait3A_169 : memref<1024000xf32, #tpu.memory_space<any>>)
    %dma_wait3A_170 = tpu.memref_slice %arg1[%mul3A_5] : memref<102400000xf32, #tpu.memory_space<any>> -> memref<1024000xf32, #tpu.memory_space<any>>
    tpu.wait_dma2 semaphore(%arg4 : memref<!tpu.dma_semaphore, #tpu.memory_space<semaphore_mem>>) src(%arg3 : memref<1024000xf32, #tpu.memory_space<vmem>>) dst(%dma_wait3A_170 : memref<1024000xf32, #tpu.memory_space<any>>)
    %dma_wait3A_171 = tpu.memref_slice %arg1[%mul3A_5] : memref<102400000xf32, #tpu.memory_space<any>> -> memref<1024000xf32, #tpu.memory_space<any>>
    tpu.wait_dma2 semaphore(%arg4 : memref<!tpu.dma_semaphore, #tpu.memory_space<semaphore_mem>>) src(%arg3 : memref<1024000xf32, #tpu.memory_space<vmem>>) dst(%dma_wait3A_171 : memref<1024000xf32, #tpu.memory_space<any>>)
    %dma_wait3A_172 = tpu.memref_slice %arg1[%mul3A_5] : memref<102400000xf32, #tpu.memory_space<any>> -> memref<1024000xf32, #tpu.memory_space<any>>
    tpu.wait_dma2 semaphore(%arg4 : memref<!tpu.dma_semaphore, #tpu.memory_space<semaphore_mem>>) src(%arg3 : memref<1024000xf32, #tpu.memory_space<vmem>>) dst(%dma_wait3A_172 : memref<1024000xf32, #tpu.memory_space<any>>)
    %dma_wait3A_173 = tpu.memref_slice %arg1[%mul3A_5] : memref<102400000xf32, #tpu.memory_space<any>> -> memref<1024000xf32, #tpu.memory_space<any>>
    tpu.wait_dma2 semaphore(%arg4 : memref<!tpu.dma_semaphore, #tpu.memory_space<semaphore_mem>>) src(%arg3 : memref<1024000xf32, #tpu.memory_space<vmem>>) dst(%dma_wait3A_173 : memref<1024000xf32, #tpu.memory_space<any>>)
    %dma_wait3A_174 = tpu.memref_slice %arg1[%mul3A_5] : memref<102400000xf32, #tpu.memory_space<any>> -> memref<1024000xf32, #tpu.memory_space<any>>
    tpu.wait_dma2 semaphore(%arg4 : memref<!tpu.dma_semaphore, #tpu.memory_space<semaphore_mem>>) src(%arg3 : memref<1024000xf32, #tpu.memory_space<vmem>>) dst(%dma_wait3A_174 : memref<1024000xf32, #tpu.memory_space<any>>)
    %dma_wait3A_175 = tpu.memref_slice %arg1[%mul3A_5] : memref<102400000xf32, #tpu.memory_space<any>> -> memref<1024000xf32, #tpu.memory_space<any>>
    tpu.wait_dma2 semaphore(%arg4 : memref<!tpu.dma_semaphore, #tpu.memory_space<semaphore_mem>>) src(%arg3 : memref<1024000xf32, #tpu.memory_space<vmem>>) dst(%dma_wait3A_175 : memref<1024000xf32, #tpu.memory_space<any>>)
    %dma_wait3A_176 = tpu.memref_slice %arg1[%mul3A_5] : memref<102400000xf32, #tpu.memory_space<any>> -> memref<1024000xf32, #tpu.memory_space<any>>
    tpu.wait_dma2 semaphore(%arg4 : memref<!tpu.dma_semaphore, #tpu.memory_space<semaphore_mem>>) src(%arg3 : memref<1024000xf32, #tpu.memory_space<vmem>>) dst(%dma_wait3A_176 : memref<1024000xf32, #tpu.memory_space<any>>)
    %dma_wait3A_177 = tpu.memref_slice %arg1[%mul3A_5] : memref<102400000xf32, #tpu.memory_space<any>> -> memref<1024000xf32, #tpu.memory_space<any>>
    tpu.wait_dma2 semaphore(%arg4 : memref<!tpu.dma_semaphore, #tpu.memory_space<semaphore_mem>>) src(%arg3 : memref<1024000xf32, #tpu.memory_space<vmem>>) dst(%dma_wait3A_177 : memref<1024000xf32, #tpu.memory_space<any>>)
    %dma_wait3A_178 = tpu.memref_slice %arg1[%mul3A_5] : memref<102400000xf32, #tpu.memory_space<any>> -> memref<1024000xf32, #tpu.memory_space<any>>
    tpu.wait_dma2 semaphore(%arg4 : memref<!tpu.dma_semaphore, #tpu.memory_space<semaphore_mem>>) src(%arg3 : memref<1024000xf32, #tpu.memory_space<vmem>>) dst(%dma_wait3A_178 : memref<1024000xf32, #tpu.memory_space<any>>)
    %dma_wait3A_179 = tpu.memref_slice %arg1[%mul3A_5] : memref<102400000xf32, #tpu.memory_space<any>> -> memref<1024000xf32, #tpu.memory_space<any>>
    tpu.wait_dma2 semaphore(%arg4 : memref<!tpu.dma_semaphore, #tpu.memory_space<semaphore_mem>>) src(%arg3 : memref<1024000xf32, #tpu.memory_space<vmem>>) dst(%dma_wait3A_179 : memref<1024000xf32, #tpu.memory_space<any>>)
    %dma_wait3A_180 = tpu.memref_slice %arg1[%mul3A_5] : memref<102400000xf32, #tpu.memory_space<any>> -> memref<1024000xf32, #tpu.memory_space<any>>
    tpu.wait_dma2 semaphore(%arg4 : memref<!tpu.dma_semaphore, #tpu.memory_space<semaphore_mem>>) src(%arg3 : memref<1024000xf32, #tpu.memory_space<vmem>>) dst(%dma_wait3A_180 : memref<1024000xf32, #tpu.memory_space<any>>)
    %dma_wait3A_181 = tpu.memref_slice %arg1[%mul3A_5] : memref<102400000xf32, #tpu.memory_space<any>> -> memref<1024000xf32, #tpu.memory_space<any>>
    tpu.wait_dma2 semaphore(%arg4 : memref<!tpu.dma_semaphore, #tpu.memory_space<semaphore_mem>>) src(%arg3 : memref<1024000xf32, #tpu.memory_space<vmem>>) dst(%dma_wait3A_181 : memref<1024000xf32, #tpu.memory_space<any>>)
    %dma_wait3A_182 = tpu.memref_slice %arg1[%mul3A_5] : memref<102400000xf32, #tpu.memory_space<any>> -> memref<1024000xf32, #tpu.memory_space<any>>
    tpu.wait_dma2 semaphore(%arg4 : memref<!tpu.dma_semaphore, #tpu.memory_space<semaphore_mem>>) src(%arg3 : memref<1024000xf32, #tpu.memory_space<vmem>>) dst(%dma_wait3A_182 : memref<1024000xf32, #tpu.memory_space<any>>)
    %dma_wait3A_183 = tpu.memref_slice %arg1[%mul3A_5] : memref<102400000xf32, #tpu.memory_space<any>> -> memref<1024000xf32, #tpu.memory_space<any>>
    tpu.wait_dma2 semaphore(%arg4 : memref<!tpu.dma_semaphore, #tpu.memory_space<semaphore_mem>>) src(%arg3 : memref<1024000xf32, #tpu.memory_space<vmem>>) dst(%dma_wait3A_183 : memref<1024000xf32, #tpu.memory_space<any>>)
    %dma_wait3A_184 = tpu.memref_slice %arg1[%mul3A_5] : memref<102400000xf32, #tpu.memory_space<any>> -> memref<1024000xf32, #tpu.memory_space<any>>
    tpu.wait_dma2 semaphore(%arg4 : memref<!tpu.dma_semaphore, #tpu.memory_space<semaphore_mem>>) src(%arg3 : memref<1024000xf32, #tpu.memory_space<vmem>>) dst(%dma_wait3A_184 : memref<1024000xf32, #tpu.memory_space<any>>)
    %dma_wait3A_185 = tpu.memref_slice %arg1[%mul3A_5] : memref<102400000xf32, #tpu.memory_space<any>> -> memref<1024000xf32, #tpu.memory_space<any>>
    tpu.wait_dma2 semaphore(%arg4 : memref<!tpu.dma_semaphore, #tpu.memory_space<semaphore_mem>>) src(%arg3 : memref<1024000xf32, #tpu.memory_space<vmem>>) dst(%dma_wait3A_185 : memref<1024000xf32, #tpu.memory_space<any>>)
    %dma_wait3A_186 = tpu.memref_slice %arg1[%mul3A_5] : memref<102400000xf32, #tpu.memory_space<any>> -> memref<1024000xf32, #tpu.memory_space<any>>
    tpu.wait_dma2 semaphore(%arg4 : memref<!tpu.dma_semaphore, #tpu.memory_space<semaphore_mem>>) src(%arg3 : memref<1024000xf32, #tpu.memory_space<vmem>>) dst(%dma_wait3A_186 : memref<1024000xf32, #tpu.memory_space<any>>)
    %dma_wait3A_187 = tpu.memref_slice %arg1[%mul3A_5] : memref<102400000xf32, #tpu.memory_space<any>> -> memref<1024000xf32, #tpu.memory_space<any>>
    tpu.wait_dma2 semaphore(%arg4 : memref<!tpu.dma_semaphore, #tpu.memory_space<semaphore_mem>>) src(%arg3 : memref<1024000xf32, #tpu.memory_space<vmem>>) dst(%dma_wait3A_187 : memref<1024000xf32, #tpu.memory_space<any>>)
    %dma_wait3A_188 = tpu.memref_slice %arg1[%mul3A_5] : memref<102400000xf32, #tpu.memory_space<any>> -> memref<1024000xf32, #tpu.memory_space<any>>
    tpu.wait_dma2 semaphore(%arg4 : memref<!tpu.dma_semaphore, #tpu.memory_space<semaphore_mem>>) src(%arg3 : memref<1024000xf32, #tpu.memory_space<vmem>>) dst(%dma_wait3A_188 : memref<1024000xf32, #tpu.memory_space<any>>)
    %dma_wait3A_189 = tpu.memref_slice %arg1[%mul3A_5] : memref<102400000xf32, #tpu.memory_space<any>> -> memref<1024000xf32, #tpu.memory_space<any>>
    tpu.wait_dma2 semaphore(%arg4 : memref<!tpu.dma_semaphore, #tpu.memory_space<semaphore_mem>>) src(%arg3 : memref<1024000xf32, #tpu.memory_space<vmem>>) dst(%dma_wait3A_189 : memref<1024000xf32, #tpu.memory_space<any>>)
    %dma_wait3A_190 = tpu.memref_slice %arg1[%mul3A_5] : memref<102400000xf32, #tpu.memory_space<any>> -> memref<1024000xf32, #tpu.memory_space<any>>
    tpu.wait_dma2 semaphore(%arg4 : memref<!tpu.dma_semaphore, #tpu.memory_space<semaphore_mem>>) src(%arg3 : memref<1024000xf32, #tpu.memory_space<vmem>>) dst(%dma_wait3A_190 : memref<1024000xf32, #tpu.memory_space<any>>)
    %dma_wait3A_191 = tpu.memref_slice %arg1[%mul3A_5] : memref<102400000xf32, #tpu.memory_space<any>> -> memref<1024000xf32, #tpu.memory_space<any>>
    tpu.wait_dma2 semaphore(%arg4 : memref<!tpu.dma_semaphore, #tpu.memory_space<semaphore_mem>>) src(%arg3 : memref<1024000xf32, #tpu.memory_space<vmem>>) dst(%dma_wait3A_191 : memref<1024000xf32, #tpu.memory_space<any>>)
    %dma_wait3A_192 = tpu.memref_slice %arg1[%mul3A_5] : memref<102400000xf32, #tpu.memory_space<any>> -> memref<1024000xf32, #tpu.memory_space<any>>
    tpu.wait_dma2 semaphore(%arg4 : memref<!tpu.dma_semaphore, #tpu.memory_space<semaphore_mem>>) src(%arg3 : memref<1024000xf32, #tpu.memory_space<vmem>>) dst(%dma_wait3A_192 : memref<1024000xf32, #tpu.memory_space<any>>)
    %dma_wait3A_193 = tpu.memref_slice %arg1[%mul3A_5] : memref<102400000xf32, #tpu.memory_space<any>> -> memref<1024000xf32, #tpu.memory_space<any>>
    tpu.wait_dma2 semaphore(%arg4 : memref<!tpu.dma_semaphore, #tpu.memory_space<semaphore_mem>>) src(%arg3 : memref<1024000xf32, #tpu.memory_space<vmem>>) dst(%dma_wait3A_193 : memref<1024000xf32, #tpu.memory_space<any>>)
    %dma_wait3A_194 = tpu.memref_slice %arg1[%mul3A_5] : memref<102400000xf32, #tpu.memory_space<any>> -> memref<1024000xf32, #tpu.memory_space<any>>
    tpu.wait_dma2 semaphore(%arg4 : memref<!tpu.dma_semaphore, #tpu.memory_space<semaphore_mem>>) src(%arg3 : memref<1024000xf32, #tpu.memory_space<vmem>>) dst(%dma_wait3A_194 : memref<1024000xf32, #tpu.memory_space<any>>)
    %dma_wait3A_195 = tpu.memref_slice %arg1[%mul3A_5] : memref<102400000xf32, #tpu.memory_space<any>> -> memref<1024000xf32, #tpu.memory_space<any>>
    tpu.wait_dma2 semaphore(%arg4 : memref<!tpu.dma_semaphore, #tpu.memory_space<semaphore_mem>>) src(%arg3 : memref<1024000xf32, #tpu.memory_space<vmem>>) dst(%dma_wait3A_195 : memref<1024000xf32, #tpu.memory_space<any>>)
    %dma_wait3A_196 = tpu.memref_slice %arg1[%mul3A_5] : memref<102400000xf32, #tpu.memory_space<any>> -> memref<1024000xf32, #tpu.memory_space<any>>
    tpu.wait_dma2 semaphore(%arg4 : memref<!tpu.dma_semaphore, #tpu.memory_space<semaphore_mem>>) src(%arg3 : memref<1024000xf32, #tpu.memory_space<vmem>>) dst(%dma_wait3A_196 : memref<1024000xf32, #tpu.memory_space<any>>)
    %dma_wait3A_197 = tpu.memref_slice %arg1[%mul3A_5] : memref<102400000xf32, #tpu.memory_space<any>> -> memref<1024000xf32, #tpu.memory_space<any>>
    tpu.wait_dma2 semaphore(%arg4 : memref<!tpu.dma_semaphore, #tpu.memory_space<semaphore_mem>>) src(%arg3 : memref<1024000xf32, #tpu.memory_space<vmem>>) dst(%dma_wait3A_197 : memref<1024000xf32, #tpu.memory_space<any>>)
    %dma_wait3A_198 = tpu.memref_slice %arg1[%mul3A_5] : memref<102400000xf32, #tpu.memory_space<any>> -> memref<1024000xf32, #tpu.memory_space<any>>
    tpu.wait_dma2 semaphore(%arg4 : memref<!tpu.dma_semaphore, #tpu.memory_space<semaphore_mem>>) src(%arg3 : memref<1024000xf32, #tpu.memory_space<vmem>>) dst(%dma_wait3A_198 : memref<1024000xf32, #tpu.memory_space<any>>)
    %dma_wait3A_199 = tpu.memref_slice %arg1[%mul3A_5] : memref<102400000xf32, #tpu.memory_space<any>> -> memref<1024000xf32, #tpu.memory_space<any>>
    tpu.wait_dma2 semaphore(%arg4 : memref<!tpu.dma_semaphore, #tpu.memory_space<semaphore_mem>>) src(%arg3 : memref<1024000xf32, #tpu.memory_space<vmem>>) dst(%dma_wait3A_199 : memref<1024000xf32, #tpu.memory_space<any>>)
    %dma_wait3A_200 = tpu.memref_slice %arg1[%mul3A_5] : memref<102400000xf32, #tpu.memory_space<any>> -> memref<1024000xf32, #tpu.memory_space<any>>
    tpu.wait_dma2 semaphore(%arg4 : memref<!tpu.dma_semaphore, #tpu.memory_space<semaphore_mem>>) src(%arg3 : memref<1024000xf32, #tpu.memory_space<vmem>>) dst(%dma_wait3A_200 : memref<1024000xf32, #tpu.memory_space<any>>)
    %dma_wait3A_201 = tpu.memref_slice %arg1[%mul3A_5] : memref<102400000xf32, #tpu.memory_space<any>> -> memref<1024000xf32, #tpu.memory_space<any>>
    tpu.wait_dma2 semaphore(%arg4 : memref<!tpu.dma_semaphore, #tpu.memory_space<semaphore_mem>>) src(%arg3 : memref<1024000xf32, #tpu.memory_space<vmem>>) dst(%dma_wait3A_201 : memref<1024000xf32, #tpu.memory_space<any>>)
    %dma_wait3A_202 = tpu.memref_slice %arg1[%mul3A_5] : memref<102400000xf32, #tpu.memory_space<any>> -> memref<1024000xf32, #tpu.memory_space<any>>
    tpu.wait_dma2 semaphore(%arg4 : memref<!tpu.dma_semaphore, #tpu.memory_space<semaphore_mem>>) src(%arg3 : memref<1024000xf32, #tpu.memory_space<vmem>>) dst(%dma_wait3A_202 : memref<1024000xf32, #tpu.memory_space<any>>)
    return
  }
}

</mosaic_0001>

<sc_bundles>
// kernel: _run.4.cloned.1.call-start
scs
__scs_entry_jumppad:
0x0: {  	(pc) =	sbr.rel $0x88, $3  }
0x1: {  	(tag) =	ssettag $0x0;
	lr =	simm.s32 $0x1  }
0x2: {  	[smem:$0x3FA0] =	sst lr;
	_ =	strace $0xD0000000  }
0x3: {  	_ = 	snop  }
0x4: {  	_ = 	snop  }
0x5: {  	_ = 	snop  }
0x6: {  	_ = 	snop  }
0x7: {  	_ = 	snop  }
__scs_overlays_trampoline_lowered:
0x8: {  	[smem:$0x3FAF] =	sst s0  }
0x9: {  	[smem:$0x3FB0] =	sst s1  }
0xa: {  	[smem:$0x3FB1] =	sst s2  }
0xb: {  	[smem:$0x3FB2] =	sst s3  }
0xc: {  	[smem:$0x3FB3] =	sst s4  }
0xd: {  	[smem:$0x3FB4] =	sst s5  }
0xe: {  	[smem:$0x3FB5] =	sst s6  }
0xf: {  	[smem:$0x3FB6] =	sst s7  }
0x10: {  	[smem:$0x3FB7] =	sst s8  }
0x11: {  	[smem:$0x3FB8] =	sst s9;
	s0 =	simm.s32 @!p0 $0x0  }
0x12: {  	s1 =	sld [smem:$0x3F9E];
	s0 =	simm.s32 @p0 $0x1  }
0x13: {  	[smem:$0x3FB9] =	sst s0;
	s0 =	simm.s32 @!p1 $0x0  }
0x14: {  	s2 =	sld [smem:$0x3F9D];
	s0 =	simm.s32 @p1 $0x1  }
0x15: {  	[smem:$0x3FBA] =	sst s0;
	s0 =	simm.s32 @!p2 $0x0  }
0x16: {  	s3 =	sld [smem:$0x3FDB];
	s0 =	simm.s32 @p2 $0x1  }
0x17: {  	s4 =	simm.s32 $0x1BF5;
	[smem:$0x3FBC] =	sst s0  }
0x18: {  	s0 =	sld [smem:$0x3F9F];
	_ =	swait.ge [sflag:s4], $0x0  }
0x19: {  	s7 =	sld [smem:$0x3FA0]  }
0x1a: {  	s8 =	sadd.s32 $0xFFFFE003, lr  }
0x1b: {  	s9 =	sadd.s32 $0xFFFFFEF7, lr;
	s5 =	simm.s32 $0xFFFFFFFF;
	p2 =	slt.u32 s8, $0xFFFFF086  }
0x1c: {  	p1 =	slt.u32 s9, $0xF7A;
	s5 =	simm.s32 @!p2 $0x0  }
0x1d: {  	s5 =	simm.s32 @p1 $0x1;
	p0 =	seq.s32 s7, s2  }
0x1e: {  	s7 =	smul.u32 @!p0 $0xF7A, s2;
	p2 =	seq.s32 @!p0 s5, $0x0  }
0x1f: {  	s9 =	smul.u32 $0xF7A, s1;
	s8 =	simm.s32 @!p0 $0x1BF5;
	p2 =	por !p2, p0  }
0x20: {  	[sflag:s8] =	ssyncset.s32 @!p0 $0xFFFFF086;
	s6 =	sadd.s32 @!p0 s3, s7;
	s7 =	simm.s32 @!p0 $0x108  }
0x21: {  	s3 =	sadd.s32 s3, s9;
	s6 =	sadd.s32 @!p0 $0x88, s6;
	s7 =	simm.s32 @p2 $0x1082  }
0x22: {  	[simem:s7], [sflag:s8] =	dma.local @!p0 [hbm:s6], $0xF7A  }
0x23: {  	s9 =	sor.u32 $0xD0000000, s2;
	s6 =	simm.s32 $0x108;
	_ =	swait.ge @!p0 [sflag:s8], $0x0  }
0x24: {  	s3 =	sadd.s32 $0x88, s3;
	s6 =	simm.s32 @!p1 $0x1082;
	[sflag:s4] =	ssyncset.s32 $0xFFFFF086  }
0x25: {  	[simem:s6], [sflag:s4] =	dma.local [hbm:s3], $0xF7A  }
0x26: {  	[smem:$0x3FA0] =	sst s1;
	(tag) =	ssettag s2;
	_ =	strace s9  }
0x27: {  	s1 =	sld [smem:$0x3FB0]  }
0x28: {  	s2 =	sld [smem:$0x3FB1]  }
0x29: {  	s4 =	sld [smem:$0x3FB3]  }
0x2a: {  	p0 =	seq.s32 s5, $0x0;
	s5 =	sld [smem:$0x3FB4]  }
0x2b: {  	s6 =	sld [smem:$0x3FB5]  }
0x2c: {  	s7 =	sld [smem:$0x3FB6]  }
0x2d: {  	s3 =	simm.s32 $0x108;
	s8 =	sld [smem:$0x3FB7]  }
0x2e: {  	s3 =	simm.s32 @!p0 $0x1082;
	s9 =	sld [smem:$0x3FB8]  }
0x2f: {  	lr =	sadd.s32 s0, s3;
	s0 =	sld [smem:$0x3FAF]  }
0x30: {  	s3 =	sld [smem:$0x3FB2]  }
0x31: {  	[smem:$0x3FBB] =	sst s10  }
0x32: {  	s10 =	sld [smem:$0x3FB9];
	_ =	sdelay $0x3  }
0x33: {  	p0 =	seq.s32 s10, $0x1;
	s10 =	sld [smem:$0x3FBB];
	_ =	sdelay $0x3  }
0x34: {  	[smem:$0x3FBB] =	sst s10  }
0x35: {  	s10 =	sld [smem:$0x3FBA];
	_ =	sdelay $0x3  }
0x36: {  	p1 =	seq.s32 s10, $0x1;
	s10 =	sld [smem:$0x3FBB];
	_ =	sdelay $0x3  }
0x37: {  	[smem:$0x3FBB] =	sst s10  }
0x38: {  	s10 =	sld [smem:$0x3FBC]  }
0x39: {  	_ = 	snop;
	(pc) =	sbr.ind lr, $3  }
0x3a: {  	_ = 	snop  }
0x3b: {  	_ = 	snop  }
0x3c: {  	p2 =	seq.s32 s10, $0x1;
	s10 =	sld [smem:$0x3FBB]  }
0x3d: {  	_ =	shalt  }
0x3e: {  	_ =	shalt  }
0x3f: {  	_ =	shalt  }
0x40: {  	_ =	shalt  }
0x41: {  	_ =	shalt  }
0x42: {  	_ =	shalt  }
0x43: {  	_ =	shalt  }
0x44: {  	_ =	shalt  }
0x45: {  	_ =	shalt  }
0x46: {  	_ =	shalt  }
0x47: {  	_ =	shalt  }
0x48: {  	_ =	shalt  }
0x49: {  	_ =	shalt  }
0x4a: {  	_ =	shalt  }
0x4b: {  	_ =	shalt  }
0x4c: {  	_ =	shalt  }
0x4d: {  	_ =	shalt  }
0x4e: {  	_ =	shalt  }
0x4f: {  	_ =	shalt  }
0x50: {  	_ =	shalt  }
0x51: {  	_ =	shalt  }
0x52: {  	_ =	shalt  }
0x53: {  	_ =	shalt  }
0x54: {  	_ =	shalt  }
0x55: {  	_ =	shalt  }
0x56: {  	_ =	shalt  }
0x57: {  	_ =	shalt  }
0x58: {  	_ =	shalt  }
0x59: {  	_ =	shalt  }
0x5a: {  	_ =	shalt  }
0x5b: {  	_ =	shalt  }
0x5c: {  	_ =	shalt  }
0x5d: {  	_ =	shalt  }
0x5e: {  	_ =	shalt  }
0x5f: {  	_ =	shalt  }
0x60: {  	_ =	shalt  }
0x61: {  	_ =	shalt  }
0x62: {  	_ =	shalt  }
0x63: {  	_ =	shalt  }
0x64: {  	_ =	shalt  }
0x65: {  	_ =	shalt  }
0x66: {  	_ =	shalt  }
0x67: {  	_ =	shalt  }
0x68: {  	_ =	shalt  }
0x69: {  	_ =	shalt  }
0x6a: {  	_ =	shalt  }
0x6b: {  	_ =	shalt  }
0x6c: {  	_ =	shalt  }
0x6d: {  	_ =	shalt  }
0x6e: {  	_ =	shalt  }
0x6f: {  	_ =	shalt  }
0x70: {  	_ =	shalt  }
0x71: {  	_ =	shalt  }
0x72: {  	_ =	shalt  }
0x73: {  	_ =	shalt  }
0x74: {  	_ =	shalt  }
0x75: {  	_ =	shalt  }
0x76: {  	_ =	shalt  }
0x77: {  	_ =	shalt  }
0x78: {  	_ =	shalt  }
0x79: {  	_ =	shalt  }
0x7a: {  	_ =	shalt  }
0x7b: {  	_ =	shalt  }
0x7c: {  	_ =	shalt  }
0x7d: {  	_ =	shalt  }
0x7e: {  	_ =	shalt  }
0x7f: {  	_ =	shalt  }
0x80: {  	_ =	shalt  }
0x81: {  	_ =	shalt  }
0x82: {  	_ =	shalt  }
0x83: {  	_ =	shalt  }
0x84: {  	_ =	shalt  }
0x85: {  	_ =	shalt  }
0x86: {  	_ =	shalt  }
0x87: {  	_ =	shalt  }
.Lfunc_end0:
.L_simem_size_0:
called_computation.1_lowered:
.L_overlay_start_0:
0x88: {  	s2 =	sld [smem:$0x3FD9]  }
0x89: {  	s3 =	sld [smem:$0x3FFE];
	_ =	sdelay $0x1  }
0x8a: {  	s1 =	srdreg.scid  }
0x8b: {  	s0 =	sand.u32 $0x1, s1  }
0x8c: {  	s18 =	sshll.u32 s0, $0xA;
	s2 =	sadd.s32 s3, s2  }
0x8d: {  	s2 =	sadd.s32 s2, s18  }
0x8e: {  	[smem:$0x3FC7] =	sst s2  }
0x8f: {  	_ = 	snop  }
0x90: {  	s2 =	sld [smem:$0x3FC9]  }
0x91: {  	s19 =	sld [smem:$0x3FD0];
	(tm) =	ssettm $0x1  }
0x92: {  	s4 =	sld [smem:$0x3FFB];
	_ =	sdelay $0x3  }
0x93: {  	_ =	strace s4  }
0x94: {  	s4 =	sld [smem:$0x3FFC];
	_ =	sdelay $0x3  }
0x95: {  	_ =	strace s4  }
0x96: {  	s4 =	sld [smem:$0x3FFD];
	_ =	sdelay $0x3  }
0x97: {  	_ =	strace s4  }
0x98: {  	_ =	strace $0x8FFFFFFF  }
0x99: {  	s20 =	sld [smem:$0x3FDB];
	_ =	sdelay $0x1  }
0x9a: {  	s5 =	simm.s32 $_scs_section_size  }
0x9b: {  	s6 =	simm.s32 $_size__tile_overlayer_lowered;
	s7 =	simm.s32 $_tile_overlayer_lowered  }
0x9c: {  	s23 =	simm.s32 $0x1BFF;
	s22 =	sshll.u32 s7, $0x1;
	s4 =	sadd.s32 s5, s20  }
0x9d: {  	s8 =	simm.s32 $0x0;
	s21 =	sshll.u32 s6, $0x1;
	s6 =	sadd.s32 s22, s4  }
0x9e: {  	[timem:s8], [sflag:s23] =	dma.local [hbm:s6], s21  }
0x9f: {  	_ =	swait.ge [sflag:s23], s21  }
0xa0: {  	s5 =	ssub.s32 $0x0, s21;
	[sflag:s23] =	ssyncset.done $0x0  }
0xa1: {  	[sflag:s23] =	ssyncadd.s32 s5;
	_ =	sdelay $0x1  }
0xa2: {  	s24 =	simm.s32 $0x1B8B  }
0xa3: {  	_ =	swait.ge [sflag:s24], $0x1  }
0xa4: {  	[sflag:s24] =	ssyncset.done $0x0  }
0xa5: {  	s25 =	simm.s32 $0x1B8E;
	[sflag:s24] =	ssyncadd.s32 $0xFFFFFFFF  }
0xa6: {  	s26 =	simm.s32 $execute0_lowered;
	[smem:$0x3FD2] =	sst s25  }
0xa7: {  	s5 =	sshll.u32 s26, $0x1;
	_ =	strace $0x80000046;
	[dreg:$0x1] =	wrdreg $0xFFFFFFFF  }
0xa8: {  	s28 =	simm.s32 $_size_execute0_lowered;
	s4 =	sadd.s32 s4, s5;
	[dreg:$0x0] =	wrdreg $0x0  }
0xa9: {  	s5 =	sshll.u32 s28, $0x1;
	[dreg:$0x2] =	wrdreg s4  }
0xaa: {  	[dreg:$0x3] =	wrdreg s5  }
0xab: {  	[dreg:$0x4] =	wrdreg $0xC0  }
0xac: {  	_ =	task [dreg:s8], $0x5FFFF  }
0xad: {  	[dreg:$0x1] =	wrdreg $0xFFFFFFFF  }
0xae: {  	[dreg:$0x0] =	wrdreg $0x60  }
0xaf: {  	[dreg:$0x2] =	wrdreg s2  }
0xb0: {  	[dreg:$0x3] =	wrdreg s19  }
0xb1: {  	[dreg:$0x4] =	wrdreg $0x9  }
0xb2: {  	_ =	task.clear_ibuf [dreg:s8], $0x5FFFF;
	_ =	strace $0x90000046  }
0xb3: {  	s29 =	simm.s32 $0x9;
	_ =	strace $0x80000048  }
0xb4: {  	_ =	swait.ge [sflag:s29], $0x1  }
0xb5: {  	[sflag:s29] =	ssyncadd.s32 $0xFFFFFFFF  }
0xb6: {  	_ =	strace $0x90000048  }
0xb7: {  	_ =	sfence  }
0xb8: {  	s30 =	sld [smem:$0x0];
	_ =	sdelay $0x2  }
0xb9: {  	s31 =	sshll.u32 s1, $0xD;
	s1 =	sshrl.u32 s1, $0x2  }
0xba: {  	s3 =	sand.u32 $0x4000, s31;
	s1 =	sadd.s32 s1, s30  }
0xbb: {  	s0 =	sor.u32 s3, s0;
	s1 =	sshll.u32 s1, $0x11  }
0xbc: {  	s0 =	sor.u32 s1, s0  }
0xbd: {  	s0 =	sadd.s32 $0x8F2B, s0  }
0xbe: {  	[sflag:s0] =	ssyncadd.remote.s32 $0x1  }
0xbf: {  	_ =	sfence.sel $0xFFFF  }
0xc0: {  	[dreg:$0x0] =	wrdreg $0xFFFFFFFF;
	(pc) =	sbr.abs _section_cstart, $3  }
0xc1: {  	[dreg:$0x1] =	wrdreg $0xFFFFFFFF  }
0xc2: {  	_ =	task.clear_ibuf [dreg:s8], $0x2FFFF;
	_ =	strace $0x9FFFFFFF  }
0xc3: {  	(tm) =	ssettm $0x7FFFFFFF  }
tec
execute0_lowered:
.L_overlay_start_1:
0x0: {  	(tag) =	ssettag $0x1  }
0x1: {  	s1 =	srdreg.scid  }
0x2: {  	s4 =	rddreg [dreg:$0x0];
	s0 =	stileid.u32;
	s6 =	sand.u32 $0x1, s1  }
0x3: {  	s2 =	rddreg [dreg:$0x1];
	s5 =	sshll.u32 s0, $0x6;
	s7 =	sshll.u32 s6, $0x5  }
0x4: {  	s3 =	simm.s32 $0x0;
	s1 =	rddreg [dreg:$0x2];
	s7 =	sor.u32 s7, s5  }
0x5: {  	[smem:$0x7FF] =	sst s3;
	s5 =	sshrl.u32 s7, $0x3  }
0x6: {  	_ =	strace $0x80000047;
	s5 =	sadd.s32 s4, s5;
	s4 =	simm.s32 $0x1  }
0x7: {  	v0 =	vmov s7;
	[tilespmem:s3], [sflag:$0x1] =	stream.linear.gather [hbm4b:s5+s3], $0x20, $0x38;
	[tilespmem:$0x180] =	vst v63  }
0x8: {  	v0 =	vmul.u32 $0x186A0, v0;
	_ =	swait.ge [sflag:s4], $0x20  }
0x9: {  	v1 =	vlaneseq.u32;
	s7 =	sor.u32 $0x10, s7;
	[sflag:s4] =	ssyncset.done $0x0  }
0xa: {  	v3 =	vmul.u32 $0x186A0, v1;
	v2 =	vmov s7;
	v0 =	vbroadcast v0, $0x0;
	[sflag:s4] =	ssyncadd.s32 $0xFFFFFFE0  }
0xb: {  	v1 =	vmul.u32 $0x186A0, v2;
	v4 =	vld [tilespmem:$0x0]  }
0xc: {  	s6 =	ssub.s32 $0x2, s6;
	v0 =	vadd.s32 v3, v0;
	v5 =	vld [tilespmem:$0x10]  }
0xd: {  	s31 =	sshrl.u32 s6, $0x1;
	v2 =	vbroadcast v1, $0x0;
	v1 =	vimm.f32 $0.0e+00;
	[tilespmem:$0xA0] =	vst v0  }
0xe: {  	s6 =	ssub.s32 s6, s31;
	[tilespmem:$0x120] =	vst v1  }
0xf: {  	s9 =	smax.u32 s6, $0x1;
	v2 =	vadd.s32 v3, v2;
	[tilespmem:$0x130] =	vst v1  }
0x10: {  	p0 =	sne.s32 s9, $0x1;
	v3 =	vimm.f32 $8.999999760e-01;
	[tilespmem:$0xB0] =	vst v2;
	v6 =	vadd.s32 v0, v4  }
.Ltmp0:
0x11: {  	vm0 =	veq.s32 v4, $0x0;
	vm15 =	veq.s32 v5, $0x0;
	v5 =	vadd.s32 v2, v5;
	[tilespmem:$0x80] =	vst v6;
	(pc) =	sbr.rel @!p0 .LBB2_2-.Ltmp0, $4  }
0x12: {  	v4 =	vsel vm0, $0x0, v3;
	[tilespmem:$0x90] =	vst v5  }
0x13: {  	s8 =	simm.s32 $0x100;
	[tilespmem:$0x100] =	vst v4;
	v4 =	vsel vm15, $0x0, v3  }
0x14: {  	s6 =	simm.s32 $0x40;
	s7 =	simm.s32 $0x80;
	s9 =	sadd.s32 $0xFFFFFFFF, s9;
	[tilespmem:$0x110] =	vst v4  }
0x15: {  	[hbm4b:s2+s6] =	stream.indirect.scatter [tilespmem:s8], [sflag:$0x1], $0x1, s7, s6, $0xb8;
	[tilespmem:$0x180] =	vst v63  }
.LBB2_1:
0x16: {  	p0 =	sne.s32 s9, $0x1;
	s9 =	sadd.s32 $0xFFFFFFFF, s9;
	_ =	swait.ge [sflag:s4], $0x40  }
0x17: {  	[sflag:s4] =	ssyncset.done $0x0  }
0x18: {  	[sflag:s4] =	ssyncadd.s32 $0xFFFFFFC0  }
0x19: {  	[tilespmem:s3], [sflag:$0x1] =	stream.linear.gather [hbm4b:s5+s3], $0x20, $0x38;
	[tilespmem:$0x180] =	vst v63  }
0x1a: {  	_ =	swait.ge [sflag:s4], $0x20  }
0x1b: {  	[sflag:s4] =	ssyncset.done $0x0  }
0x1c: {  	[sflag:s4] =	ssyncadd.s32 $0xFFFFFFE0  }
0x1d: {  	v4 =	vld [tilespmem:$0x0];
	[tilespmem:$0xA0] =	vst v0  }
0x1e: {  	[tilespmem:$0x120] =	vst v1;
	v5 =	vld [tilespmem:$0x10]  }
0x1f: {  	[tilespmem:$0xB0] =	vst v2  }
0x20: {  	[tilespmem:$0x130] =	vst v1;
	_ =	sdelay $0x1  }
0x21: {  	v6 =	vadd.s32 v0, v4;
	vm0 =	veq.s32 v4, $0x0  }
.Ltmp1:
0x22: {  	[tilespmem:$0x80] =	vst v6;
	v4 =	vsel vm0, $0x0, v3;
	v6 =	vadd.s32 v2, v5;
	vm0 =	veq.s32 v5, $0x0;
	(pc) =	sbr.rel @p0 .LBB2_1-.Ltmp1, $4  }
0x23: {  	[tilespmem:$0x100] =	vst v4;
	v4 =	vsel vm0, $0x0, v3  }
0x24: {  	[tilespmem:$0x110] =	vst v4  }
0x25: {  	[tilespmem:$0x90] =	vst v6  }
0x26: {  	[hbm4b:s2+s6] =	stream.indirect.scatter [tilespmem:s8], [sflag:$0x1], $0x1, s7, s6, $0xb8;
	[tilespmem:$0x180] =	vst v63  }
.LBB2_2:
0x27: {  	_ =	swait.ge [sflag:s4], $0x40  }
0x28: {  	[sflag:s4] =	ssyncset.done $0x0  }
0x29: {  	[sflag:s4] =	ssyncadd.s32 $0xFFFFFFC0  }
0x2a: {  	_ =	sfence.sel $0x180000  }
0x2b: {  	[bflag:$0x0] =	sbarrier.arrive $0xFFFF  }
0x2c: {  	p0 =	sne.s32 s0, $0x0;
	_ =	strace $0x90000047  }
0x2d: {  	s0 =	sadd.s32 @!p0 $0x100000, s1;
	[bflag:$0x2] =	sbarrier.arrive $0xFFFF  }
0x2e: {  	[sflag:s0] =	ssyncadd.tile.s32 @!p0 $0x1;
	_ =	shalt  }
.Lfunc_end2:
_tile_overlayer_lowered:
.L_overlay_start_2:
0x2f: {  	(tag) =	ssettag $0x2  }
0x30: {  	s0 =	rddreg [dreg:$0x0];
	s2 =	stileid.u32  }
0x31: {  	s1 =	rddreg [dreg:$0x1];
	p0 =	sne.s32 s2, $0x0  }
0x32: {  	s3 =	rddreg [dreg:$0x2];
	[bflag:$0x3] =	sbarrier.arrive $0xFFFF;
	s2 =	simm.s32 @!p0 $0x1C02  }
0x33: {  	[timem:s3], [sflag:s2] =	dma.local @!p0 [hbm:s0], s1  }
0x34: {  	s0 =	simm.s32 @!p0 $0x2  }
0x35: {  	_ =	swait.ge @!p0 [sflag:s0], s1  }
0x36: {  	s1 =	ssub.s32 @!p0 $0x0, s1;
	[sflag:s0] =	ssyncset.done @!p0 $0x0  }
0x37: {  	[sflag:s0] =	ssyncadd.s32 @!p0 s1  }
0x38: {  	[bflag:$0x3] =	sbarrier.arrive $0xFFFF  }
0x39: {  	_ =	shalt  }

// kernel: sparse-core-data-format-call.cloned.1.call-start
scs
called_computation_lowered:
.L_overlay_start_0:
0x0: {  	s2 =	sld [smem:$0x3FD9]  }
0x1: {  	s3 =	sld [smem:$0x3FFE];
	_ =	sdelay $0x1  }
0x2: {  	s1 =	srdreg.scid  }
0x3: {  	s0 =	sand.u32 $0x1, s1  }
0x4: {  	s18 =	sshll.u32 s0, $0xA;
	s2 =	sadd.s32 s3, s2  }
0x5: {  	s2 =	sadd.s32 s2, s18  }
0x6: {  	[smem:$0x3FC7] =	sst s2  }
0x7: {  	_ = 	snop  }
0x8: {  	s2 =	sld [smem:$0x3FD0];
	(tm) =	ssettm $0x1  }
0x9: {  	s19 =	sld [smem:$0x3FFB];
	_ =	sdelay $0x3  }
0xa: {  	_ =	strace s19  }
0xb: {  	s3 =	sld [smem:$0x3FFC];
	_ =	sdelay $0x3  }
0xc: {  	_ =	strace s3  }
0xd: {  	s3 =	sld [smem:$0x3FFD];
	_ =	sdelay $0x3  }
0xe: {  	_ =	strace s3  }
0xf: {  	_ =	strace $0x8FFFFFFF  }
0x10: {  	s20 =	sld [smem:$0x3FDB];
	_ =	sdelay $0x1  }
0x11: {  	s4 =	simm.s32 $_scs_section_size  }
0x12: {  	s5 =	simm.s32 $_size__tile_overlayer_lowered;
	s6 =	simm.s32 $_tile_overlayer_lowered  }
0x13: {  	s23 =	simm.s32 $0x1BFF;
	s22 =	sshll.u32 s6, $0x1;
	s3 =	sadd.s32 s4, s20  }
0x14: {  	s7 =	simm.s32 $0x0;
	s21 =	sshll.u32 s5, $0x1;
	s5 =	sadd.s32 s22, s3  }
0x15: {  	[timem:s7], [sflag:s23] =	dma.local [hbm:s5], s21  }
0x16: {  	_ =	swait.ge [sflag:s23], s21  }
0x17: {  	s4 =	ssub.s32 $0x0, s21;
	[sflag:s23] =	ssyncset.done $0x0  }
0x18: {  	[sflag:s23] =	ssyncadd.s32 s4;
	_ =	sdelay $0x1  }
0x19: {  	s24 =	simm.s32 $0x1B8B  }
0x1a: {  	_ =	swait.ge [sflag:s24], $0x1  }
0x1b: {  	[sflag:s24] =	ssyncset.done $0x0  }
0x1c: {  	s26 =	simm.s32 $0x1B8E;
	s25 =	sld [smem:$0x3FFE];
	[sflag:s24] =	ssyncadd.s32 $0xFFFFFFFF  }
0x1d: {  	s27 =	simm.s32 $execute0_lowered;
	[smem:$0x3FD2] =	sst s26  }
0x1e: {  	s5 =	sshll.u32 s27, $0x1;
	_ =	strace $0x80000049;
	[dreg:$0x1] =	wrdreg $0xFFFFFFFF  }
0x1f: {  	s28 =	simm.s32 $_size_execute0_lowered;
	s3 =	sadd.s32 s3, s5;
	[dreg:$0x0] =	wrdreg $0x0  }
0x20: {  	s5 =	sshll.u32 s28, $0x1;
	[dreg:$0x2] =	wrdreg s3  }
0x21: {  	[dreg:$0x3] =	wrdreg s5  }
0x22: {  	[dreg:$0x4] =	wrdreg $0xC0  }
0x23: {  	_ =	task [dreg:s7], $0x5FFFF  }
0x24: {  	[dreg:$0x1] =	wrdreg $0xFFFFFFFF  }
0x25: {  	[dreg:$0x0] =	wrdreg $0x60  }
0x26: {  	[dreg:$0x2] =	wrdreg s25  }
0x27: {  	[dreg:$0x3] =	wrdreg s2  }
0x28: {  	[dreg:$0x4] =	wrdreg $0x9  }
0x29: {  	_ =	task.clear_ibuf [dreg:s7], $0x5FFFF;
	_ =	strace $0x90000049  }
0x2a: {  	s29 =	simm.s32 $0x9;
	_ =	strace $0x8000004B  }
0x2b: {  	_ =	swait.ge [sflag:s29], $0x1  }
0x2c: {  	[sflag:s29] =	ssyncadd.s32 $0xFFFFFFFF  }
0x2d: {  	_ =	strace $0x9000004B  }
0x2e: {  	_ =	sfence  }
0x2f: {  	s30 =	sld [smem:$0x0];
	_ =	sdelay $0x2  }
0x30: {  	s31 =	sshll.u32 s1, $0xD;
	s1 =	sshrl.u32 s1, $0x2  }
0x31: {  	s3 =	sand.u32 $0x4000, s31;
	s1 =	sadd.s32 s1, s30  }
0x32: {  	s0 =	sor.u32 s3, s0;
	s1 =	sshll.u32 s1, $0x11  }
0x33: {  	s0 =	sor.u32 s1, s0  }
0x34: {  	s0 =	sadd.s32 $0x8F2B, s0  }
0x35: {  	[sflag:s0] =	ssyncadd.remote.s32 $0x1  }
0x36: {  	_ =	sfence.sel $0xFFFF  }
0x37: {  	[dreg:$0x0] =	wrdreg $0xFFFFFFFF;
	(pc) =	sbr.abs _section_cstart, $3  }
0x38: {  	[dreg:$0x1] =	wrdreg $0xFFFFFFFF  }
0x39: {  	_ =	task.clear_ibuf [dreg:s7], $0x2FFFF;
	_ =	strace $0x9FFFFFFF  }
0x3a: {  	(tm) =	ssettm $0x7FFFFFFF  }
0x3b: {  	_ =	shalt  }
tec
execute0_lowered:
.L_overlay_start_1:
0x0: {  	(tag) =	ssettag $0x1  }
0x1: {  	s0 =	stileid.u32  }
0x2: {  	s2 =	srdreg.scid;
	s7 =	rddreg [dreg:$0x0]  }
0x3: {  	s6 =	simm.s32 $0x1;
	s31 =	simm.s32 $0x2;
	s16 =	simm.s32 $0x0  }
0x4: {  	s9 =	simm.s32 $0x2000;
	s15 =	simm.s32 $0x0;
	s10 =	simm.s32 $0x0  }
0x5: {  	s11 =	simm.s32 $0x0;
	s14 =	simm.s32 $0x0;
	s1 =	sshll.u32 s0, $0x7  }
0x6: {  	s3 =	sshll.u32 s0, $0x4;
	s2 =	sshll.u32 s2, $0x8;
	s1 =	sand.u32 $0x380, s1  }
0x7: {  	s7 =	sadd.s32 $0x800, s7;
	s2 =	sor.u32 s3, s2;
	s5 =	ssub.s32 $0x400, s1  }
0x8: {  	s3 =	rddreg [dreg:$0x1];
	s4 =	sand.u32 $0x180, s2;
	s29 =	sand.u32 $0x380, s5  }
0x9: {  	s30 =	ssub.s32 $0x18680, s4;
	s5 =	sshrl.u32 s5, $0xA;
	p0 =	sne.s32 s29, $0x0  }
.Ltmp0:
0xa: {  	s8 =	sshrl.u32 s30, $0x9;
	s6 =	simm.s32 @!p0 $0x0;
	(pc) =	sbr.rel .LBB1_1-.Ltmp0, $4  }
0xb: {  	s2 =	rddreg [dreg:$0x2];
	s8 =	sadd.s32 $0x1, s8;
	s6 =	sadd.s32 s6, s5  }
0xc: {  	_ =	strace $0x8000004A;
	s5 =	simm.s32 $0x1;
	s6 =	smul.u32 s6, s8  }
0xd: {  	s13 =	smov.u32 s1;
	s12 =	smov.u32 s4;
	[sflag:s5] =	ssyncpa.u1 $0x0  }
0xe: {  	p0 =	por $0x0, $0x0;
	[sflag:s31] =	ssyncpa.u1 $0x0;
	s8 =	sadd.s32 $0x1, s6  }
.LBB1_4:
0xf: {  	s21 =	sshra.s32 s21, $0x2;
	s27 =	sshll.u32 s10, $0xA;
	s22 =	sshll.u32 s11, $0x3  }
0x10: {  	s23 =	sshll.u32 s10, $0x7;
	s24 =	sand.u32 $0x78, s11;
	p1 =	sgt.s32 s10, $0x18620  }
0x11: {  	s25 =	sshra.s32 s10, $0x1F;
	s26 =	sshra.s32 s11, $0x1F;
	s20 =	sadd.s32 s21, s20  }
0x12: {  	v5 =	vld [tilespmem:s18+$0xFFFFFFD0];
	[tilespmem:s19+$0x2040 ss:$0x81] =	vst.msk $0xffff, v4;
	s21 =	sand.u32 $0xFFFFE000, s27;
	s22 =	sand.u32 $0xFFFFFC00, s22;
	s28 =	sand.u32 $0x380, s23  }
0x13: {  	v58 =	vld [tilespmem:s18+$0xFFFFFFE0];
	[tilespmem:s19+$0x2850 ss:$0x81] =	vst.msk $0xffff, v3;
	s23 =	smov.u32 s10;
	s30 =	sand.u32 s25, s10;
	s25 =	smov.u32 s11  }
0x14: {  	v59 =	vld [tilespmem:s18+$0xFFFFFFF0];
	[tilespmem:s19+$0x3060 ss:$0x81] =	vst.msk $0xffff, v2;
	s31 =	sand.u32 s26, s11;
	s21 =	sadd.s32 s22, s21;
	s22 =	sor.u32 s24, s28  }
0x15: {  	v60 =	vld [tilespmem:s18+$0x0];
	[tilespmem:s19+$0x0 ss:$0x81] =	vst.msk $0xffff, v1;
	s23 =	simm.s32 @!p1 $0x18620;
	p1 =	sgt.s32 s11, $0x380;
	s21 =	sshrl.u32 s21, $0xA  }
0x16: {  	v61 =	vld [tilespmem:s18+$0x10];
	[tilespmem:s20+$0x3870 ss:$0x81] =	vst.msk $0xffff, v0;
	s19 =	ssub.s32 s23, s30;
	s25 =	simm.s32 @!p1 $0x380;
	s29 =	smulhi.u32 $0x53E2D7, s21  }
0x17: {  	v62 =	vld [tilespmem:s18+$0x20];
	s23 =	ssub.s32 s25, s31;
	s26 =	sadd.s32 $0xFFFE79E0, s19;
	s19 =	ssub.s32 $0x186A0, s19;
	[tilespmem:s20+$0x810 ss:$0x81] =	vst.msk $0xffff, v5  }
0x18: {  	v63 =	vld [tilespmem:s18+$0xFFFFFFC0];
	[tilespmem:s20+$0x1020 ss:$0x81] =	vst.msk $0xffff, v58;
	p1 =	sgt.s32 s26, $0x7F;
	s28 =	sadd.s32 $0xFFFFFC80, s23;
	s24 =	sshrl.u32 s29, $0x7  }
0x19: {  	[tilespmem:s20+$0x1830 ss:$0x81] =	vst.msk $0xffff, v59;
	s23 =	ssub.s32 $0x400, s23;
	p2 =	sgt.s32 s28, $0x7F;
	s27 =	smul.u32 $0x186A0, s24  }
0x1a: {  	s30 =	sand.u32 $0x7, s11;
	[tilespmem:s20+$0x2040 ss:$0x81] =	vst.msk $0xffff, v60;
	s19 =	simm.s32 @p1 $0x0;
	s23 =	simm.s32 @p2 $0x0  }
0x1b: {  	[tilespmem:s20+$0x2850 ss:$0x81] =	vst.msk $0xffff, v61;
	s29 =	sshrl.u32 s22, $0x3;
	s19 =	smul.u32 s23, s19;
	s18 =	ssub.s32 s21, s27  }
0x1c: {  	[tilespmem:s20+$0x3060 ss:$0x81] =	vst.msk $0xffff, v62;
	s22 =	sshll.u32 s30, $0x12;
	s21 =	sadd.s32 s3, s29;
	s18 =	sshll.u32 s18, $0x7  }
0x1d: {  	[tilespmem:s20+$0x0 ss:$0x81] =	vst.msk $0xffff, v63;
	s31 =	sor.u32 $0x400, s22;
	s19 =	sand.u32 $0x3FFFFFFF, s19;
	s18 =	sadd.s32 s18, s21  }
0x1e: {  	[hbm4b:s18+s31] =	stream.strided.scatter [tilespmem:s17], [sflag:$0x2], s19, s9, s31, $0x20;
	[tilespmem:$0x10100] =	vst v63  }
.LBB1_5:
0x1f: {  	p1 =	slt.u32 s14, $0x2  }
0x20: {  	s18 =	smov.u32 s16;
	p2 =	sgt.s32 @!p1 s16, $0x18620;
	s17 =	sshra.s32 @!p1 s16, $0x1F  }
0x21: {  	p3 =	sgt.s32 @!p1 s15, $0x380;
	s19 =	sshra.s32 @!p1 s15, $0x1F;
	p2 =	por !p2, p1  }
0x22: {  	s16 =	sand.u32 @!p1 s17, s16;
	p3 =	por !p3, p1;
	s17 =	smov.u32 s15  }
0x23: {  	s15 =	sand.u32 @!p1 s19, s15;
	s18 =	simm.s32 @p2 $0x18620;
	s17 =	simm.s32 @p3 $0x380  }
0x24: {  	s16 =	ssub.s32 @!p1 s18, s16;
	s15 =	ssub.s32 @!p1 s17, s15  }
0x25: {  	s19 =	smov.u32 s13;
	s17 =	sadd.s32 @!p1 $0xFFFE79E0, s16;
	s18 =	sadd.s32 @!p1 $0xFFFFFC80, s15  }
0x26: {  	s16 =	ssub.s32 @!p1 $0x186A0, s16;
	p2 =	sgt.s32 @!p1 s17, $0x7F;
	p3 =	sgt.s32 @!p1 s18, $0x7F  }
0x27: {  	s15 =	ssub.s32 @!p1 $0x400, s15;
	p2 =	por !p2, p1;
	p3 =	por !p3, p1  }
0x28: {  	s17 =	sadd.s32 $0x200, s12;
	s16 =	simm.s32 @!p2 $0x0;
	s15 =	simm.s32 @!p3 $0x0  }
0x29: {  	p2 =	sgt.s32 s17, $0x1869F;
	s15 =	smul.u32 @!p1 s15, s16;
	s16 =	sadd.s32 $0x400, s13  }
0x2a: {  	s19 =	smov.u32 @p2 s16  }
0x2b: {  	s17 =	smov.u32 @p2 s4;
	p2 =	sgt.s32 s19, $0x3FF  }
0x2c: {  	s19 =	smov.u32 @p2 s1;
	p2 =	sne.s32 s14, s8  }
.Ltmp1:
0x2d: {  	p0 =	por !p0, !p0;
	s18 =	simm.s32 @!p1 $0x2;
	(pc) =	sbr.rel @!p2 .LBB1_6-.Ltmp1, $4  }
0x2e: {  	s16 =	smov.u32 s10;
	s10 =	smov.u32 s12;
	s15 =	sand.u32 @!p1 $0x3FFFFFFF, s15  }
0x2f: {  	s12 =	smov.u32 s17;
	_ =	swait.ge @!p1 [sflag:s18], s15;
	s20 =	ssub.s32 @!p1 $0x0, s15  }
0x30: {  	s15 =	smov.u32 s11;
	s14 =	sadd.s32 $0x1, s14;
	[sflag:s18] =	ssyncset.done @!p1 $0x0  }
0x31: {  	s11 =	smov.u32 s13;
	s13 =	smov.u32 s19;
	[sflag:s18] =	ssyncadd.s32 @!p1 s20  }
.LBB1_1:
0x32: {  	p1 =	sge.u32 s14, s6  }
0x33: {  	s17 =	sshrl.u32 @!p1 s13, $0x3  }
0x34: {  	s18 =	sshll.u32 @!p1 s12, $0x3;
	s17 =	smul.u32 @!p1 $0xC3800, s17  }
0x35: {  	s19 =	sshll.u32 @!p1 s13, $0x7;
	s18 =	sand.u32 @!p1 $0xFFFFFC00, s18  }
0x36: {  	s17 =	sadd.s32 @!p1 s17, s18;
	s18 =	sand.u32 @!p1 $0x380, s19  }
0x37: {  	s19 =	sand.u32 @!p1 $0x7F, s12;
	s17 =	sor.u32 @!p1 s18, s17  }
0x38: {  	s18 =	sor.u32 @!p1 s19, s17  }
0x39: {  	s19 =	smulhi.u32 @!p1 $0xA79C7B17, s18;
	_ =	sdelay $0x1  }
0x3a: {  	s17 =	smulhi.u32 @!p1 $0xA79C7B17, s17;
	s19 =	sshrl.u32 @!p1 s19, $0x10  }
0x3b: {  	s19 =	smul.u32 @!p1 $0x18700, s19  }
0x3c: {  	s31 =	sadd.s32 $0xFFFFFFFF, s14;
	s20 =	sxor.u32 @!p1 $0xFFFFFFFF, s14;
	s17 =	sshrl.u32 @!p1 s17, $0x10  }
0x3d: {  	s20 =	sshll.u32 @!p1 s20, $0xE;
	s17 =	sand.u32 @!p1 $0x3FF, s17;
	s18 =	ssub.s32 @!p1 s18, s19  }
0x3e: {  	s17 =	smul.u32 @!p1 $0x30E0, s17;
	s19 =	sshrl.u32 @!p1 s18, $0x3;
	s18 =	sand.u32 @!p1 $0x7, s18  }
0x3f: {  	s20 =	sand.u32 @!p1 $0x4000, s20;
	s19 =	sadd.s32 @!p1 s7, s19;
	s18 =	sshll.u32 @!p1 s18, $0x12  }
0x40: {  	s17 =	sadd.s32 @!p1 s17, s19;
	s18 =	sor.u32 @!p1 $0x400, s18;
	s19 =	simm.s32 @!p1 $0xC3800  }
0x41: {  	[tilespmem:s20], [sflag:$0x1] =	stream.strided.gather @!p1 [hbm4b:s17+s18], $0x4000, s19, s18, $0x38;
	[tilespmem:$0x10100] =	vst v63  }
0x42: {  	p1 =	sge.u32 s31, s6  }
.Ltmp2:
0x43: {  	_ = 	snop;
	(pc) =	sbr.rel @p1 .LBB1_5-.Ltmp2, $1  }
0x44: {  	_ =	sdelay $0x3  }
0x45: {  	s17 =	simm.s32 $0x1  }
0x46: {  	_ =	swait.ge [sflag:s5], $0x4000;
	s17 =	simm.s32 @!p0 $0x0  }
0x47: {  	[sflag:s5] =	ssyncset.done $0x0;
	s18 =	sshll.u32 s17, $0xE  }
0x48: {  	[sflag:s5] =	ssyncadd.s32 $0xFFFFC000;
	s18 =	sor.u32 $0x40, s18  }
0x49: {  	s17 =	smul.u32 $0x10200, s17;
	v0 =	vld [tilespmem:s18+$0x30]  }
0x4a: {  	v1 =	vld [tilespmem:s18+$0xFFFFFFD0]  }
0x4b: {  	s17 =	sshrl.u32 s17, $0x2;
	v5 =	vld [tilespmem:s18+$0xFFFFFFE0]  }
0x4c: {  	v6 =	vld [tilespmem:s18+$0xFFFFFFF0];
	s20 =	sor.u32 $0x8000, s17  }
0x4d: {  	s31 =	sand.u32 $0x1, s14;
	v4 =	vld [tilespmem:s18+$0x0];
	s19 =	sadd.s32 $0x0, s20  }
0x4e: {  	v3 =	vld [tilespmem:s18+$0x10];
	s17 =	smul.u32 $0x10200, s31;
	[tilespmem:s19+$0x3870 ss:$0x81] =	vst.msk $0xffff, v0  }
0x4f: {  	v2 =	vld [tilespmem:s18+$0x20];
	[tilespmem:s19+$0x810 ss:$0x81] =	vst.msk $0xffff, v1  }
0x50: {  	s17 =	sshrl.u32 s17, $0x2;
	v1 =	vld [tilespmem:s18+$0xFFFFFFC0];
	[tilespmem:s19+$0x1020 ss:$0x81] =	vst.msk $0xffff, v5;
	s18 =	sadd.s32 $0x80, s18  }
0x51: {  	s21 =	simm.s32 $0x4;
	s22 =	simm.s32 $0x8;
	s17 =	sor.u32 $0x8000, s17;
	[tilespmem:s19+$0x1830 ss:$0x81] =	vst.msk $0xffff, v6;
	v0 =	vld [tilespmem:s18+$0x30]  }
.LBB1_3:
0x52: {  	p1 =	sne.s32 s22, $0x1FC;
	v5 =	vld [tilespmem:s18+$0xFFFFFFD0];
	[tilespmem:s19+$0x2040 ss:$0x81] =	vst.msk $0xffff, v4  }
0x53: {  	v6 =	vld [tilespmem:s18+$0xFFFFFFE0];
	[tilespmem:s19+$0x2850 ss:$0x81] =	vst.msk $0xffff, v3  }
0x54: {  	s23 =	sshra.s32 s21, $0x2;
	s21 =	smov.u32 s22;
	v7 =	vld [tilespmem:s18+$0xFFFFFFF0];
	[tilespmem:s19+$0x3060 ss:$0x81] =	vst.msk $0xffff, v2  }
.Ltmp3:
0x55: {  	v4 =	vld [tilespmem:s18+$0x0];
	[tilespmem:s19+$0x0 ss:$0x81] =	vst.msk $0xffff, v1;
	s19 =	sadd.s32 s23, s20;
	(pc) =	sbr.rel @p1 .LBB1_3-.Ltmp3, $4  }
0x56: {  	v3 =	vld [tilespmem:s18+$0x10];
	[tilespmem:s19+$0x3870 ss:$0x81] =	vst.msk $0xffff, v0  }
0x57: {  	[tilespmem:s19+$0x810 ss:$0x81] =	vst.msk $0xffff, v5;
	v2 =	vld [tilespmem:s18+$0x20]  }
0x58: {  	v1 =	vld [tilespmem:s18+$0xFFFFFFC0];
	[tilespmem:s19+$0x1020 ss:$0x81] =	vst.msk $0xffff, v6;
	s18 =	sadd.s32 $0x80, s18  }
0x59: {  	s22 =	sadd.s32 $0x4, s22;
	v0 =	vld [tilespmem:s18+$0x30];
	[tilespmem:s19+$0x1830 ss:$0x81] =	vst.msk $0xffff, v7  }
.Ltmp4:
0x5a: {  	_ = 	snop;
	(pc) =	sbr.rel .LBB1_4-.Ltmp4, $1  }
0x5b: {  	_ =	sdelay $0x3  }
.LBB1_6:
0x5c: {  	_ =	sfence.sel $0x180000  }
0x5d: {  	s1 =	simm.s32 $0x1;
	[bflag:$0x0] =	sbarrier.arrive $0xFFFF  }
0x5e: {  	s31 =	simm.s32 $0x2;
	[sflag:s1] =	ssyncpa.u1 $0x1  }
0x5f: {  	[sflag:s31] =	ssyncpa.u1 $0x1  }
0x60: {  	p0 =	sne.s32 s0, $0x0;
	_ =	strace $0x9000004A  }
0x61: {  	s0 =	sadd.s32 @!p0 $0x100000, s2;
	[bflag:$0x2] =	sbarrier.arrive $0xFFFF  }
0x62: {  	[sflag:s0] =	ssyncadd.tile.s32 @!p0 $0x1;
	_ =	shalt  }
.Lfunc_end1:
_tile_overlayer_lowered:
.L_overlay_start_2:
0x63: {  	(tag) =	ssettag $0x2  }
0x64: {  	s0 =	rddreg [dreg:$0x0];
	s2 =	stileid.u32  }
0x65: {  	s1 =	rddreg [dreg:$0x1];
	p0 =	sne.s32 s2, $0x0  }
0x66: {  	s3 =	rddreg [dreg:$0x2];
	[bflag:$0x3] =	sbarrier.arrive $0xFFFF;
	s2 =	simm.s32 @!p0 $0x1C01  }
0x67: {  	[timem:s3], [sflag:s2] =	dma.local @!p0 [hbm:s0], s1  }
0x68: {  	s0 =	simm.s32 @!p0 $0x1  }
0x69: {  	_ =	swait.ge @!p0 [sflag:s0], s1  }
0x6a: {  	s1 =	ssub.s32 @!p0 $0x0, s1;
	[sflag:s0] =	ssyncset.done @!p0 $0x0  }
0x6b: {  	[sflag:s0] =	ssyncadd.s32 @!p0 s1  }
0x6c: {  	[bflag:$0x3] =	sbarrier.arrive $0xFFFF  }
0x6d: {  	_ =	shalt  }

</sc_bundles>
